<compile_context>
chip_gen: v7x
topology: tpu7x:2x2x1
jax: 0.10.2.dev20260603
libtpu: 0.0.44.dev20260713+nightly
codegen_flags: <defaults>
</compile_context>

<pallas_src>
import functools

import jax
import jax.numpy as jnp
from jax import lax
from jax.experimental import pallas as pl
from jax.experimental.pallas import tpu as pltpu
from jax.experimental.pallas import tpu_sc as plsc

_D = 256
_A = 100
_K = 15
_M = _A * _K
_MP = 1536
_NB = _MP // 128
_NG = _MP + 256
_ROW_BLK = 10000
_NSCAN = 50000 // _ROW_BLK


def _sc_gather(n_rows, d):
    info = plsc.get_sparse_core_info()
    nw = info.num_cores * info.num_subcores
    bpw = n_rows // nw
    nch = 7
    sub = bpw // nch
    mesh = plsc.VectorSubcoreMesh(core_axis_name="c", subcore_axis_name="s")

    @functools.partial(
        pl.kernel,
        mesh=mesh,
        out_type=jax.ShapeDtypeStruct((n_rows, d), jnp.float32),
        scratch_types=[
            pltpu.VMEM((bpw,), jnp.int32),
            pltpu.VMEM((bpw, d), jnp.float32),
            pltpu.SemaphoreType.DMA,
        ],
    )
    def gather_rows(idx_hbm, table_hbm, out_hbm, idx_v, rows_v, sem):
        wid = lax.axis_index("s") * info.num_cores + lax.axis_index("c")
        base = wid * bpw
        pltpu.sync_copy(idx_hbm.at[pl.ds(base, bpw)], idx_v)
        pltpu.sync_copy(rows_v.at[pl.ds(0, 8), :],
                        out_hbm.at[pl.ds(base, 8)])

    return gather_rows


def _fused_body(feat_ref, pos_ref, anch_ref, frow_ref, fcol_ref,
                out_ref, fmin_ref, fmax_ref, gbn_ref, w_ref, accd_ref):
    i = pl.program_id(0)

    @pl.when(i < _NSCAN)
    def _scan():
        blk = feat_ref[...]
        bmin = jnp.min(blk, axis=0, keepdims=True)
        bmax = jnp.max(blk, axis=0, keepdims=True)

        @pl.when(i == 0)
        def _first():
            fmin_ref[...] = bmin
            fmax_ref[...] = bmax

        @pl.when(i > 0)
        def _acc():
            fmin_ref[...] = jnp.minimum(fmin_ref[...], bmin)
            fmax_ref[...] = jnp.maximum(fmax_ref[...], bmax)

    @pl.when(i >= _NSCAN)
    def _loss():
        j = i - _NSCAN
        fmin = fmin_ref[...]
        rng = fmax_ref[...] - fmin

        @pl.when(i == _NSCAN)
        def _init():
            gbn_ref[...] = ((pos_ref[...] - fmin) / rng).astype(jnp.bfloat16)
            frow = frow_ref[...]
            fcol = fcol_ref[...]
            for b in range(_NB):
                fr_blk = frow[:, b * 128:(b + 1) * 128]
                eq = fcol == fr_blk
                jj = lax.broadcasted_iota(jnp.int32, (_MP, 128), 0)
                rr = lax.broadcasted_iota(jnp.int32, (_MP, 128), 1) + b * 128
                dup = jnp.any(jnp.logical_and(eq, jj < rr), axis=0,
                              keepdims=True)
                valid = (lax.broadcasted_iota(jnp.int32, (1, 128), 1)
                         + b * 128) < _M
                keep = jnp.logical_and(jnp.logical_not(dup), valid)
                w_ref[:, b * 128:(b + 1) * 128] = jnp.where(keep, 1.0, 0.0)
            accd_ref[...] = jnp.zeros_like(accd_ref)

        gbn = gbn_ref[...]
        gblk = gbn_ref[pl.ds(j * 128, 128), :]

        fc_blk = fcol_ref[pl.ds(j * 128, 128), :]
        eqr = fc_blk == frow_ref[...]
        jj = lax.broadcasted_iota(jnp.int32, (128, _MP), 1)
        rr = lax.broadcasted_iota(jnp.int32, (128, _MP), 0) + j * 128
        dup = jnp.any(jnp.logical_and(eqr, jj < rr), axis=1, keepdims=True)
        validr = (lax.broadcasted_iota(jnp.int32, (128, 1), 0) + j * 128) < _M
        wrow = jnp.where(jnp.logical_and(jnp.logical_not(dup), validr),
                         1.0, 0.0)

        g_blk = lax.dot_general(gblk, gbn, (((1,), (1,)), ((), ())),
                                preferred_element_type=jnp.float32)
        accd_ref[...] += jnp.sum(jnp.exp(g_blk) * w_ref[...] * wrow)

        @pl.when(i == _NSCAN + _NB - 1)
        def _fin():
            aa = lax.broadcasted_iota(jnp.int32, (128, _MP), 0)
            kk = lax.broadcasted_iota(jnp.int32, (128, _MP), 1)
            q = jnp.where(jnp.logical_and(kk // _K == aa, kk < _M),
                          1.0, 0.0).astype(jnp.bfloat16)
            h = lax.dot_general(q, gbn_ref[...], (((1,), (0,)), ((), ())),
                                preferred_element_type=jnp.float32)
            ganch = (anch_ref[...] - fmin) / rng
            s1 = jnp.sum(h * ganch)
            out_ref[...] = 15.0 * jnp.log(accd_ref[...]) - s1 / 100.0


def kernel(feat, nodes_samp, pos_pairs_expand):
    n, d = feat.shape
    flat = pos_pairs_expand.reshape(_M)
    idx_all = jnp.concatenate([
        flat,
        jnp.zeros((_MP - _M,), jnp.int32),
        nodes_samp,
        jnp.zeros((_NG - _MP - _A,), jnp.int32),
    ])

    rows = _sc_gather(_NG, d)(idx_all, feat)
    pos_raw = rows[:_MP]
    anch_raw = rows[_MP:_MP + 128]

    flat_pad = jnp.concatenate([flat, jnp.full((_MP - _M,), -1, jnp.int32)])
    frow = flat_pad.reshape(1, _MP)
    fcol = flat_pad.reshape(_MP, 1)

    loss = pl.pallas_call(
        _fused_body,
        grid=(_NSCAN + _NB,),
        in_specs=[
            pl.BlockSpec((_ROW_BLK, d),
                         lambda i: (jnp.where(i < _NSCAN, i, _NSCAN - 1), 0)),
            pl.BlockSpec((_MP, d), lambda i: (0, 0)),
            pl.BlockSpec((128, d), lambda i: (0, 0)),
            pl.BlockSpec((1, _MP), lambda i: (0, 0)),
            pl.BlockSpec((_MP, 1), lambda i: (0, 0)),
        ],
        out_specs=pl.BlockSpec((1, 1), lambda i: (0, 0)),
        out_shape=jax.ShapeDtypeStruct((1, 1), jnp.float32),
        scratch_shapes=[
            pltpu.VMEM((1, d), jnp.float32),
            pltpu.VMEM((1, d), jnp.float32),
            pltpu.VMEM((_MP, d), jnp.bfloat16),
            pltpu.VMEM((1, _MP), jnp.float32),
            pltpu.VMEM((1, 1), jnp.float32),
        ],
    )(feat, pos_raw, anch_raw, frow, fcol)
    return loss[0, 0]

# --- scband reference (transcript-rebuilt; emitter-appended) ---
"""Pipeline reference for scband-info-nce-53764400611708 (READ-ONLY COPY).

The authoritative reference and input builder live on the scoring server;
editing this copy changes nothing except your own understanding.
"""

import jax, jax.numpy as jnp
import numpy as np

N_NODES = 50000
D_FEAT = 256
N_ANCHORS = 100
N_NEIGH = 15


def setup_inputs(seed: int = 0) -> dict:
    key = jax.random.key(seed)
    k1, k2, k3 = jax.random.split(key, 3)
    feat = jax.random.normal(k1, (N_NODES, D_FEAT), dtype=jnp.float32)
    nodes_samp = jax.random.randint(k2, (N_ANCHORS,), 0, N_NODES, dtype=jnp.int32)
    pos_pairs_expand = jax.random.randint(k3, (N_ANCHORS, N_NEIGH), 0, N_NODES, dtype=jnp.int32)
    return {"feat": feat, "nodes_samp": nodes_samp, "pos_pairs_expand": pos_pairs_expand}


def reference(feat, nodes_samp, pos_pairs_expand):
    # Min-max column normalization (contr_feat == feat in the original module)
    fmin = feat.min(axis=0)
    fmax = feat.max(axis=0)
    norm_feat = (feat - fmin) / (fmax - fmin)

    # Gather positive-pair neighbor features: [100, 15, d]
    pos_feats = norm_feat[pos_pairs_expand]
    # Anchor features: [100, d, 1]
    anchor = norm_feat[nodes_samp][:, :, None]

    # numerator: exp(<neighbor, anchor>) -> [100, 15, 1]
    numerator = jnp.exp(jnp.matmul(pos_feats, anchor))

    # denominator: sum over all pairwise exp(dot) of unique neighbor-node features.
    # torch.matmul([U,d], [U,d,1]) broadcasts to [U,U,1]; sum == sum(exp(uf @ uf.T)).
    M = pos_pairs_expand.size
    flat = pos_pairs_expand.ravel()
    s = jnp.sort(flat)
    n_unique = 1 + jnp.sum(s[1:] != s[:-1])
    uniq = jnp.unique(flat, size=M, fill_value=0)
    w = (jnp.arange(M) < n_unique).astype(norm_feat.dtype)
    uf = norm_feat[uniq]
    denominator = jnp.sum(jnp.exp(jnp.matmul(uf, uf.T)) * (w[:, None] * w[None, :]))

    loss = -jnp.log(numerator / denominator).sum(axis=1).mean()
    return loss

if __name__ == "__main__":
    import jax
    _d = setup_inputs()
    print(jax.jit(kernel)(*tuple(_d.values())))

</pallas_src>

<mosaic_0001>
#map = affine_map<(d0, d1) -> (0)>
#map1 = affine_map<(d0, d1) -> (0, 0)>
module attributes {stable_mosaic.version = 14 : i64} {
  func.func @gather_rows(%arg0: i32, %arg1: i32, %arg2: memref<1792xi32, #tpu.memory_space<hbm>>, %arg3: memref<50000x256xf32, #tpu.memory_space<hbm>>, %arg4: memref<1792x256xf32, #tpu.memory_space<hbm>>, %arg5: memref<56xi32, #tpu.memory_space<vmem>>, %arg6: memref<56x256xf32, #tpu.memory_space<vmem>>, %arg7: memref<!tpu.dma_semaphore, #tpu.memory_space<semaphore_mem>>) attributes {dimension_semantics = [#tpu.dimension_semantics<core_parallel>, #tpu.dimension_semantics<subcore_parallel>], iteration_bounds = array<i64: 2, 16>, scalar_prefetch = 0 : i64, scratch_operands = 3 : i64, tpu.core_type = #tpu.core_type<sc_vector_subcore>, window_params = [{transform_indices = #map}, {transform_indices = #map1}, {transform_indices = #map1}]} {
    %mul3A = arith.constant 2 : i32
    %mul3A_0 = arith.muli %arg1, %mul3A : i32
    %add3A = arith.addi %mul3A_0, %arg0 : i32
    %mul3A_1 = arith.constant 56 : i32
    %mul3A_2 = arith.muli %add3A, %mul3A_1 : i32
    "tpu.region"() ({
      %run_scoped3A = tpu.sem_alloc : memref<!tpu.dma_semaphore, #tpu.memory_space<semaphore_mem>>
      %dma_start3A = tpu.memref_slice %arg2[%mul3A_2] : memref<1792xi32, #tpu.memory_space<hbm>> -> memref<56xi32, #tpu.memory_space<hbm>>
      %dma_start3A_3 = tpu.memref_slice %arg2[%mul3A_2] : memref<1792xi32, #tpu.memory_space<hbm>> -> memref<56xi32, #tpu.memory_space<hbm>>
      tpu.enqueue_dma source(%dma_start3A_3 : memref<56xi32, #tpu.memory_space<hbm>>) target(%arg5 : memref<56xi32, #tpu.memory_space<vmem>>) target_semaphore(%run_scoped3A : memref<!tpu.dma_semaphore, #tpu.memory_space<semaphore_mem>>)
      %dma_wait3A = tpu.memref_slice %arg2[%mul3A_2] : memref<1792xi32, #tpu.memory_space<hbm>> -> memref<56xi32, #tpu.memory_space<hbm>>
      %dma_wait3A_4 = tpu.memref_slice %arg2[%mul3A_2] : memref<1792xi32, #tpu.memory_space<hbm>> -> memref<56xi32, #tpu.memory_space<hbm>>
      tpu.wait_dma2 semaphore(%run_scoped3A : memref<!tpu.dma_semaphore, #tpu.memory_space<semaphore_mem>>) src(%dma_wait3A_4 : memref<56xi32, #tpu.memory_space<hbm>>) dst(%arg5 : memref<56xi32, #tpu.memory_space<vmem>>)
      tpu.yield
    }) : () -> ()
    "tpu.region"() ({
      %run_scoped3A = tpu.sem_alloc : memref<!tpu.dma_semaphore, #tpu.memory_space<semaphore_mem>>
      %dma_start3A = arith.constant 0 : i32
      %dma_start3A_3 = arith.constant 0 : i32
      %dma_start3A_4 = tpu.memref_slice %arg6[%dma_start3A, %dma_start3A_3] : memref<56x256xf32, #tpu.memory_space<vmem>> -> memref<8x256xf32, #tpu.memory_space<vmem>>
      %dma_start3A_5 = arith.constant 0 : i32
      %dma_start3A_6 = tpu.memref_slice %arg4[%mul3A_2, %dma_start3A_5] : memref<1792x256xf32, #tpu.memory_space<hbm>> -> memref<8x256xf32, #tpu.memory_space<hbm>>
      %dma_start3A_7 = arith.constant 0 : i32
      %dma_start3A_8 = tpu.memref_slice %arg4[%mul3A_2, %dma_start3A_7] : memref<1792x256xf32, #tpu.memory_space<hbm>> -> memref<8x256xf32, #tpu.memory_space<hbm>>
      %dma_start3A_9 = arith.constant 0 : i32
      %dma_start3A_10 = arith.constant 0 : i32
      %dma_start3A_11 = tpu.memref_slice %arg6[%dma_start3A_9, %dma_start3A_10] : memref<56x256xf32, #tpu.memory_space<vmem>> -> memref<8x256xf32, #tpu.memory_space<vmem>>
      tpu.enqueue_dma source(%dma_start3A_11 : memref<8x256xf32, #tpu.memory_space<vmem>>) target(%dma_start3A_8 : memref<8x256xf32, #tpu.memory_space<hbm>>) target_semaphore(%run_scoped3A : memref<!tpu.dma_semaphore, #tpu.memory_space<semaphore_mem>>)
      %dma_wait3A = arith.constant 0 : i32
      %dma_wait3A_12 = arith.constant 0 : i32
      %dma_wait3A_13 = tpu.memref_slice %arg6[%dma_wait3A, %dma_wait3A_12] : memref<56x256xf32, #tpu.memory_space<vmem>> -> memref<8x256xf32, #tpu.memory_space<vmem>>
      %dma_wait3A_14 = arith.constant 0 : i32
      %dma_wait3A_15 = tpu.memref_slice %arg4[%mul3A_2, %dma_wait3A_14] : memref<1792x256xf32, #tpu.memory_space<hbm>> -> memref<8x256xf32, #tpu.memory_space<hbm>>
      %dma_wait3A_16 = arith.constant 0 : i32
      %dma_wait3A_17 = tpu.memref_slice %arg4[%mul3A_2, %dma_wait3A_16] : memref<1792x256xf32, #tpu.memory_space<hbm>> -> memref<8x256xf32, #tpu.memory_space<hbm>>
      %dma_wait3A_18 = arith.constant 0 : i32
      %dma_wait3A_19 = arith.constant 0 : i32
      %dma_wait3A_20 = tpu.memref_slice %arg6[%dma_wait3A_18, %dma_wait3A_19] : memref<56x256xf32, #tpu.memory_space<vmem>> -> memref<8x256xf32, #tpu.memory_space<vmem>>
      tpu.wait_dma2 semaphore(%run_scoped3A : memref<!tpu.dma_semaphore, #tpu.memory_space<semaphore_mem>>) src(%dma_wait3A_20 : memref<8x256xf32, #tpu.memory_space<vmem>>) dst(%dma_wait3A_17 : memref<8x256xf32, #tpu.memory_space<hbm>>)
      tpu.yield
    }) : () -> ()
    return
  }
}

module attributes {stable_mosaic.version = 14 : i64} {
  func.func @_fused_body(%arg0: i32, %arg1: memref<10000x256xf32, #tpu.memory_space<vmem>>, %arg2: memref<1536x256xf32, #tpu.memory_space<vmem>>, %arg3: memref<128x256xf32, #tpu.memory_space<vmem>>, %arg4: memref<1x1536xi32, #tpu.memory_space<vmem>>, %arg5: memref<1536x1xi32, #tpu.memory_space<vmem>>, %arg6: memref<1x1xf32, #tpu.memory_space<vmem>>, %arg7: memref<1x256xf32, #tpu.memory_space<vmem>>, %arg8: memref<1x256xf32, #tpu.memory_space<vmem>>, %arg9: memref<1536x256xbf16, #tpu.memory_space<vmem>>, %arg10: memref<1x1536xf32, #tpu.memory_space<vmem>>, %arg11: memref<1x1xf32, #tpu.memory_space<vmem>>) attributes {dimension_semantics = [#tpu.dimension_semantics<arbitrary>], iteration_bounds = array<i64: 17>, scalar_prefetch = 0 : i64, scratch_operands = 5 : i64, tpu.core_type = #tpu.core_type<tc>, window_params = [{transform_indices = @transform_0, window_bounds = array<i64: 10000, 256>}, {pipeline_mode = #tpu.pipeline_mode<synchronous>, transform_indices = @transform_1, window_bounds = array<i64: 1536, 256>}, {pipeline_mode = #tpu.pipeline_mode<synchronous>, transform_indices = @transform_2, window_bounds = array<i64: 128, 256>}, {pipeline_mode = #tpu.pipeline_mode<synchronous>, transform_indices = @transform_3, window_bounds = array<i64: 1, 1536>}, {pipeline_mode = #tpu.pipeline_mode<synchronous>, transform_indices = @transform_4, window_bounds = array<i64: 1536, 1>}, {pipeline_mode = #tpu.pipeline_mode<synchronous>, transform_indices = @transform_5, window_bounds = array<i64: 1, 1>}]} {
    %lt3A = arith.constant 5 : i32
    %lt3A_0 = arith.cmpi slt, %arg0, %lt3A : i32
    %convert_element_type3A = arith.extui %lt3A_0 : i1 to i32
    %cond3A = arith.constant 0 : i32
    %cond3A_1 = arith.cmpi ne, %convert_element_type3A, %cond3A : i32
    scf.if %cond3A_1 {
      %get3A = arith.constant 0 : index
      %get3A_6 = arith.constant 0 : index
      %get3A_7 = vector.load %arg1[%get3A, %get3A_6] : memref<10000x256xf32, #tpu.memory_space<vmem>>, vector<10000x256xf32>
      %reduce_min3A = arith.constant dense<0x7F800000> : vector<256xf32>
      %reduce_min3A_8 = vector.multi_reduction <minimumf>, %get3A_7, %reduce_min3A [0] : vector<10000x256xf32> to vector<256xf32>
      %broadcast_in_dim3A = vector.shape_cast %reduce_min3A_8 : vector<256xf32> to vector<1x256xf32>
      %reduce_max3A = arith.constant dense<0xFF800000> : vector<256xf32>
      %reduce_max3A_9 = vector.multi_reduction <maximumf>, %get3A_7, %reduce_max3A [0] : vector<10000x256xf32> to vector<256xf32>
      %broadcast_in_dim3A_10 = vector.shape_cast %reduce_max3A_9 : vector<256xf32> to vector<1x256xf32>
      %eq3A = arith.constant 0 : i32
      %eq3A_11 = arith.cmpi eq, %arg0, %eq3A : i32
      %convert_element_type3A_12 = arith.extui %eq3A_11 : i1 to i32
      %cond3A_13 = arith.constant 0 : i32
      %cond3A_14 = arith.cmpi ne, %convert_element_type3A_12, %cond3A_13 : i32
      scf.if %cond3A_14 {
        %swap3A = arith.constant 0 : index
        %swap3A_19 = arith.constant 0 : index
        %swap3A_20 = vector.load %arg7[%swap3A, %swap3A_19] : memref<1x256xf32, #tpu.memory_space<vmem>>, vector<1x256xf32>
        tpu.vector_store %arg7[%swap3A, %swap3A_19], %broadcast_in_dim3A {strides = array<i32>} : memref<1x256xf32, #tpu.memory_space<vmem>>, vector<1x256xf32>,
        %swap3A_21 = arith.constant 0 : index
        %swap3A_22 = arith.constant 0 : index
        %swap3A_23 = vector.load %arg8[%swap3A_21, %swap3A_22] : memref<1x256xf32, #tpu.memory_space<vmem>>, vector<1x256xf32>
        tpu.vector_store %arg8[%swap3A_21, %swap3A_22], %broadcast_in_dim3A_10 {strides = array<i32>} : memref<1x256xf32, #tpu.memory_space<vmem>>, vector<1x256xf32>,
      } else {
      }
      %gt3A = arith.constant 0 : i32
      %gt3A_15 = arith.cmpi sgt, %arg0, %gt3A : i32
      %convert_element_type3A_16 = arith.extui %gt3A_15 : i1 to i32
      %cond3A_17 = arith.constant 0 : i32
      %cond3A_18 = arith.cmpi ne, %convert_element_type3A_16, %cond3A_17 : i32
      scf.if %cond3A_18 {
        %get3A_19 = arith.constant 0 : index
        %get3A_20 = arith.constant 0 : index
        %get3A_21 = vector.load %arg7[%get3A_19, %get3A_20] : memref<1x256xf32, #tpu.memory_space<vmem>>, vector<1x256xf32>
        %min3A = arith.minimumf %get3A_21, %broadcast_in_dim3A : vector<1x256xf32>
        %swap3A = arith.constant 0 : index
        %swap3A_22 = arith.constant 0 : index
        %swap3A_23 = vector.load %arg7[%swap3A, %swap3A_22] : memref<1x256xf32, #tpu.memory_space<vmem>>, vector<1x256xf32>
        tpu.vector_store %arg7[%swap3A, %swap3A_22], %min3A {strides = array<i32>} : memref<1x256xf32, #tpu.memory_space<vmem>>, vector<1x256xf32>,
        %get3A_24 = arith.constant 0 : index
        %get3A_25 = arith.constant 0 : index
        %get3A_26 = vector.load %arg8[%get3A_24, %get3A_25] : memref<1x256xf32, #tpu.memory_space<vmem>>, vector<1x256xf32>
        %max3A = arith.maximumf %get3A_26, %broadcast_in_dim3A_10 : vector<1x256xf32>
        %swap3A_27 = arith.constant 0 : index
        %swap3A_28 = arith.constant 0 : index
        %swap3A_29 = vector.load %arg8[%swap3A_27, %swap3A_28] : memref<1x256xf32, #tpu.memory_space<vmem>>, vector<1x256xf32>
        tpu.vector_store %arg8[%swap3A_27, %swap3A_28], %max3A {strides = array<i32>} : memref<1x256xf32, #tpu.memory_space<vmem>>, vector<1x256xf32>,
      } else {
      }
    } else {
    }
    %ge3A = arith.constant 5 : i32
    %ge3A_2 = arith.cmpi sge, %arg0, %ge3A : i32
    %convert_element_type3A_3 = arith.extui %ge3A_2 : i1 to i32
    %cond3A_4 = arith.constant 0 : i32
    %cond3A_5 = arith.cmpi ne, %convert_element_type3A_3, %cond3A_4 : i32
    scf.if %cond3A_5 {
      %sub3A = arith.constant 5 : i32
      %sub3A_6 = arith.subi %arg0, %sub3A : i32
      %get3A = arith.constant 0 : index
      %get3A_7 = arith.constant 0 : index
      %get3A_8 = vector.load %arg7[%get3A, %get3A_7] : memref<1x256xf32, #tpu.memory_space<vmem>>, vector<1x256xf32>
      %get3A_9 = arith.constant 0 : index
      %get3A_10 = arith.constant 0 : index
      %get3A_11 = vector.load %arg8[%get3A_9, %get3A_10] : memref<1x256xf32, #tpu.memory_space<vmem>>, vector<1x256xf32>
      %sub3A_12 = arith.subf %get3A_11, %get3A_8 : vector<1x256xf32>
      %eq3A = arith.constant 5 : i32
      %eq3A_13 = arith.cmpi eq, %arg0, %eq3A : i32
      %convert_element_type3A_14 = arith.extui %eq3A_13 : i1 to i32
      %cond3A_15 = arith.constant 0 : i32
      %cond3A_16 = arith.cmpi ne, %convert_element_type3A_14, %cond3A_15 : i32
      scf.if %cond3A_16 {
        %get3A_86 = arith.constant 0 : index
        %get3A_87 = arith.constant 0 : index
        %get3A_88 = vector.load %arg2[%get3A_86, %get3A_87] : memref<1536x256xf32, #tpu.memory_space<vmem>>, vector<1536x256xf32>
        %sub3A_89 = vector.broadcast %get3A_8 : vector<1x256xf32> to vector<1536x256xf32>
        %sub3A_90 = arith.subf %get3A_88, %sub3A_89 : vector<1536x256xf32>
        %div3A = vector.broadcast %sub3A_12 : vector<1x256xf32> to vector<1536x256xf32>
        %div3A_91 = arith.divf %sub3A_90, %div3A : vector<1536x256xf32>
        %convert_element_type3A_92 = arith.truncf %div3A_91 : vector<1536x256xf32> to vector<1536x256xbf16>
        %swap3A_93 = arith.constant 0 : index
        %swap3A_94 = arith.constant 0 : index
        %swap3A_95 = vector.load %arg9[%swap3A_93, %swap3A_94] : memref<1536x256xbf16, #tpu.memory_space<vmem>>, vector<1536x256xbf16>
        tpu.vector_store %arg9[%swap3A_93, %swap3A_94], %convert_element_type3A_92 {strides = array<i32>} : memref<1536x256xbf16, #tpu.memory_space<vmem>>, vector<1536x256xbf16>,
        %get3A_96 = arith.constant 0 : index
        %get3A_97 = arith.constant 0 : index
        %get3A_98 = vector.load %arg4[%get3A_96, %get3A_97] : memref<1x1536xi32, #tpu.memory_space<vmem>>, vector<1x1536xi32>
        %get3A_99 = arith.constant 0 : index
        %get3A_100 = arith.constant 0 : index
        %get3A_101 = vector.load %arg5[%get3A_99, %get3A_100] : memref<1536x1xi32, #tpu.memory_space<vmem>>, vector<1536x1xi32>
        %slice3A = vector.extract_strided_slice %get3A_98 {offsets = [0, 0], sizes = [1, 128], strides = [1, 1]} : vector<1x1536xi32> to vector<1x128xi32>
        %eq3A_102 = vector.broadcast %get3A_101 : vector<1536x1xi32> to vector<1536x128xi32>
        %eq3A_103 = vector.broadcast %slice3A : vector<1x128xi32> to vector<1536x128xi32>
        %eq3A_104 = arith.cmpi eq, %eq3A_102, %eq3A_103 : vector<1536x128xi32>
        %iota3A_105 = tpu.iota {dimensions = array<i32: 0>} : vector<1536x128xi32>
        %iota3A_106 = tpu.iota {dimensions = array<i32: 1>} : vector<1536x128xi32>
        %add3A_107 = arith.constant 0 : i32
        %add3A_108 = vector.broadcast %add3A_107 : i32 to vector<1536x128xi32>
        %add3A_109 = arith.addi %iota3A_106, %add3A_108 : vector<1536x128xi32>
        %lt3A_110 = arith.cmpi slt, %iota3A_105, %add3A_109 : vector<1536x128xi32>
        %and3A_111 = arith.andi %eq3A_104, %lt3A_110 : vector<1536x128xi1>
        %reduce_or3A_112 = arith.constant 1.000000e+00 : f32
        %reduce_or3A_113 = arith.constant 0.000000e+00 : f32
        %reduce_or3A_114 = vector.broadcast %reduce_or3A_112 : f32 to vector<1536x128xf32>
        %reduce_or3A_115 = vector.broadcast %reduce_or3A_113 : f32 to vector<1536x128xf32>
        %reduce_or3A_116 = arith.select %and3A_111, %reduce_or3A_114, %reduce_or3A_115 : vector<1536x128xi1>, vector<1536x128xf32>
        %reduce_or3A_117 = arith.constant dense<0xFF800000> : vector<128xf32>
        %reduce_or3A_118 = vector.multi_reduction <maximumf>, %reduce_or3A_116, %reduce_or3A_117 [0] : vector<1536x128xf32> to vector<128xf32>
        %reduce_or3A_119 = arith.constant 0.000000e+00 : f32
        %reduce_or3A_120 = vector.broadcast %reduce_or3A_119 : f32 to vector<128xf32>
        %reduce_or3A_121 = arith.cmpf ogt, %reduce_or3A_118, %reduce_or3A_120 : vector<128xf32>
        %broadcast_in_dim3A_122 = vector.shape_cast %reduce_or3A_121 : vector<128xi1> to vector<1x128xi1>
        %iota3A_123 = tpu.iota {dimensions = array<i32: 1>} : vector<1x128xi32>
        %add3A_124 = arith.constant 0 : i32
        %add3A_125 = vector.broadcast %add3A_124 : i32 to vector<1x128xi32>
        %add3A_126 = arith.addi %iota3A_123, %add3A_125 : vector<1x128xi32>
        %lt3A_127 = arith.constant 1500 : i32
        %lt3A_128 = vector.broadcast %lt3A_127 : i32 to vector<1x128xi32>
        %lt3A_129 = arith.cmpi slt, %add3A_126, %lt3A_128 : vector<1x128xi32>
        %not3A_130 = arith.constant dense<true> : vector<1x128xi1>
        %not3A_131 = arith.xori %broadcast_in_dim3A_122, %not3A_130 : vector<1x128xi1>
        %and3A_132 = arith.andi %not3A_131, %lt3A_129 : vector<1x128xi1>
        %jit3A_133 = arith.constant 1.000000e+00 : f32
        %jit3A_134 = arith.constant 0.000000e+00 : f32
        %broadcast_in_dim3A_135 = vector.broadcast %jit3A_133 : f32 to vector<1x128xf32>
        %broadcast_in_dim3A_136 = vector.broadcast %jit3A_134 : f32 to vector<1x128xf32>
        %select_n3A_137 = arith.select %and3A_132, %broadcast_in_dim3A_135, %broadcast_in_dim3A_136 : vector<1x128xi1>, vector<1x128xf32>
        %swap3A_138 = arith.constant 0 : index
        %swap3A_139 = arith.constant 0 : index
        %swap3A_140 = vector.load %arg10[%swap3A_138, %swap3A_139] : memref<1x1536xf32, #tpu.memory_space<vmem>>, vector<1x128xf32>
        tpu.vector_store %arg10[%swap3A_138, %swap3A_139], %select_n3A_137 {strides = array<i32>} : memref<1x1536xf32, #tpu.memory_space<vmem>>, vector<1x128xf32>,
        %slice3A_141 = vector.extract_strided_slice %get3A_98 {offsets = [0, 128], sizes = [1, 128], strides = [1, 1]} : vector<1x1536xi32> to vector<1x128xi32>
        %eq3A_142 = vector.broadcast %get3A_101 : vector<1536x1xi32> to vector<1536x128xi32>
        %eq3A_143 = vector.broadcast %slice3A_141 : vector<1x128xi32> to vector<1536x128xi32>
        %eq3A_144 = arith.cmpi eq, %eq3A_142, %eq3A_143 : vector<1536x128xi32>
        %iota3A_145 = tpu.iota {dimensions = array<i32: 0>} : vector<1536x128xi32>
        %iota3A_146 = tpu.iota {dimensions = array<i32: 1>} : vector<1536x128xi32>
        %add3A_147 = arith.constant 128 : i32
        %add3A_148 = vector.broadcast %add3A_147 : i32 to vector<1536x128xi32>
        %add3A_149 = arith.addi %iota3A_146, %add3A_148 : vector<1536x128xi32>
        %lt3A_150 = arith.cmpi slt, %iota3A_145, %add3A_149 : vector<1536x128xi32>
        %and3A_151 = arith.andi %eq3A_144, %lt3A_150 : vector<1536x128xi1>
        %reduce_or3A_152 = arith.constant 1.000000e+00 : f32
        %reduce_or3A_153 = arith.constant 0.000000e+00 : f32
        %reduce_or3A_154 = vector.broadcast %reduce_or3A_152 : f32 to vector<1536x128xf32>
        %reduce_or3A_155 = vector.broadcast %reduce_or3A_153 : f32 to vector<1536x128xf32>
        %reduce_or3A_156 = arith.select %and3A_151, %reduce_or3A_154, %reduce_or3A_155 : vector<1536x128xi1>, vector<1536x128xf32>
        %reduce_or3A_157 = arith.constant dense<0xFF800000> : vector<128xf32>
        %reduce_or3A_158 = vector.multi_reduction <maximumf>, %reduce_or3A_156, %reduce_or3A_157 [0] : vector<1536x128xf32> to vector<128xf32>
        %reduce_or3A_159 = arith.constant 0.000000e+00 : f32
        %reduce_or3A_160 = vector.broadcast %reduce_or3A_159 : f32 to vector<128xf32>
        %reduce_or3A_161 = arith.cmpf ogt, %reduce_or3A_158, %reduce_or3A_160 : vector<128xf32>
        %broadcast_in_dim3A_162 = vector.shape_cast %reduce_or3A_161 : vector<128xi1> to vector<1x128xi1>
        %iota3A_163 = tpu.iota {dimensions = array<i32: 1>} : vector<1x128xi32>
        %add3A_164 = arith.constant 128 : i32
        %add3A_165 = vector.broadcast %add3A_164 : i32 to vector<1x128xi32>
        %add3A_166 = arith.addi %iota3A_163, %add3A_165 : vector<1x128xi32>
        %lt3A_167 = arith.constant 1500 : i32
        %lt3A_168 = vector.broadcast %lt3A_167 : i32 to vector<1x128xi32>
        %lt3A_169 = arith.cmpi slt, %add3A_166, %lt3A_168 : vector<1x128xi32>
        %not3A_170 = arith.constant dense<true> : vector<1x128xi1>
        %not3A_171 = arith.xori %broadcast_in_dim3A_162, %not3A_170 : vector<1x128xi1>
        %and3A_172 = arith.andi %not3A_171, %lt3A_169 : vector<1x128xi1>
        %jit3A_173 = arith.constant 1.000000e+00 : f32
        %jit3A_174 = arith.constant 0.000000e+00 : f32
        %broadcast_in_dim3A_175 = vector.broadcast %jit3A_173 : f32 to vector<1x128xf32>
        %broadcast_in_dim3A_176 = vector.broadcast %jit3A_174 : f32 to vector<1x128xf32>
        %select_n3A_177 = arith.select %and3A_172, %broadcast_in_dim3A_175, %broadcast_in_dim3A_176 : vector<1x128xi1>, vector<1x128xf32>
        %swap3A_178 = arith.constant 0 : index
        %swap3A_179 = arith.constant 128 : index
        %swap3A_180 = vector.load %arg10[%swap3A_178, %swap3A_179] : memref<1x1536xf32, #tpu.memory_space<vmem>>, vector<1x128xf32>
        tpu.vector_store %arg10[%swap3A_178, %swap3A_179], %select_n3A_177 {strides = array<i32>} : memref<1x1536xf32, #tpu.memory_space<vmem>>, vector<1x128xf32>,
        %slice3A_181 = vector.extract_strided_slice %get3A_98 {offsets = [0, 256], sizes = [1, 128], strides = [1, 1]} : vector<1x1536xi32> to vector<1x128xi32>
        %eq3A_182 = vector.broadcast %get3A_101 : vector<1536x1xi32> to vector<1536x128xi32>
        %eq3A_183 = vector.broadcast %slice3A_181 : vector<1x128xi32> to vector<1536x128xi32>
        %eq3A_184 = arith.cmpi eq, %eq3A_182, %eq3A_183 : vector<1536x128xi32>
        %iota3A_185 = tpu.iota {dimensions = array<i32: 0>} : vector<1536x128xi32>
        %iota3A_186 = tpu.iota {dimensions = array<i32: 1>} : vector<1536x128xi32>
        %add3A_187 = arith.constant 256 : i32
        %add3A_188 = vector.broadcast %add3A_187 : i32 to vector<1536x128xi32>
        %add3A_189 = arith.addi %iota3A_186, %add3A_188 : vector<1536x128xi32>
        %lt3A_190 = arith.cmpi slt, %iota3A_185, %add3A_189 : vector<1536x128xi32>
        %and3A_191 = arith.andi %eq3A_184, %lt3A_190 : vector<1536x128xi1>
        %reduce_or3A_192 = arith.constant 1.000000e+00 : f32
        %reduce_or3A_193 = arith.constant 0.000000e+00 : f32
        %reduce_or3A_194 = vector.broadcast %reduce_or3A_192 : f32 to vector<1536x128xf32>
        %reduce_or3A_195 = vector.broadcast %reduce_or3A_193 : f32 to vector<1536x128xf32>
        %reduce_or3A_196 = arith.select %and3A_191, %reduce_or3A_194, %reduce_or3A_195 : vector<1536x128xi1>, vector<1536x128xf32>
        %reduce_or3A_197 = arith.constant dense<0xFF800000> : vector<128xf32>
        %reduce_or3A_198 = vector.multi_reduction <maximumf>, %reduce_or3A_196, %reduce_or3A_197 [0] : vector<1536x128xf32> to vector<128xf32>
        %reduce_or3A_199 = arith.constant 0.000000e+00 : f32
        %reduce_or3A_200 = vector.broadcast %reduce_or3A_199 : f32 to vector<128xf32>
        %reduce_or3A_201 = arith.cmpf ogt, %reduce_or3A_198, %reduce_or3A_200 : vector<128xf32>
        %broadcast_in_dim3A_202 = vector.shape_cast %reduce_or3A_201 : vector<128xi1> to vector<1x128xi1>
        %iota3A_203 = tpu.iota {dimensions = array<i32: 1>} : vector<1x128xi32>
        %add3A_204 = arith.constant 256 : i32
        %add3A_205 = vector.broadcast %add3A_204 : i32 to vector<1x128xi32>
        %add3A_206 = arith.addi %iota3A_203, %add3A_205 : vector<1x128xi32>
        %lt3A_207 = arith.constant 1500 : i32
        %lt3A_208 = vector.broadcast %lt3A_207 : i32 to vector<1x128xi32>
        %lt3A_209 = arith.cmpi slt, %add3A_206, %lt3A_208 : vector<1x128xi32>
        %not3A_210 = arith.constant dense<true> : vector<1x128xi1>
        %not3A_211 = arith.xori %broadcast_in_dim3A_202, %not3A_210 : vector<1x128xi1>
        %and3A_212 = arith.andi %not3A_211, %lt3A_209 : vector<1x128xi1>
        %jit3A_213 = arith.constant 1.000000e+00 : f32
        %jit3A_214 = arith.constant 0.000000e+00 : f32
        %broadcast_in_dim3A_215 = vector.broadcast %jit3A_213 : f32 to vector<1x128xf32>
        %broadcast_in_dim3A_216 = vector.broadcast %jit3A_214 : f32 to vector<1x128xf32>
        %select_n3A_217 = arith.select %and3A_212, %broadcast_in_dim3A_215, %broadcast_in_dim3A_216 : vector<1x128xi1>, vector<1x128xf32>
        %swap3A_218 = arith.constant 0 : index
        %swap3A_219 = arith.constant 256 : index
        %swap3A_220 = vector.load %arg10[%swap3A_218, %swap3A_219] : memref<1x1536xf32, #tpu.memory_space<vmem>>, vector<1x128xf32>
        tpu.vector_store %arg10[%swap3A_218, %swap3A_219], %select_n3A_217 {strides = array<i32>} : memref<1x1536xf32, #tpu.memory_space<vmem>>, vector<1x128xf32>,
        %slice3A_221 = vector.extract_strided_slice %get3A_98 {offsets = [0, 384], sizes = [1, 128], strides = [1, 1]} : vector<1x1536xi32> to vector<1x128xi32>
        %eq3A_222 = vector.broadcast %get3A_101 : vector<1536x1xi32> to vector<1536x128xi32>
        %eq3A_223 = vector.broadcast %slice3A_221 : vector<1x128xi32> to vector<1536x128xi32>
        %eq3A_224 = arith.cmpi eq, %eq3A_222, %eq3A_223 : vector<1536x128xi32>
        %iota3A_225 = tpu.iota {dimensions = array<i32: 0>} : vector<1536x128xi32>
        %iota3A_226 = tpu.iota {dimensions = array<i32: 1>} : vector<1536x128xi32>
        %add3A_227 = arith.constant 384 : i32
        %add3A_228 = vector.broadcast %add3A_227 : i32 to vector<1536x128xi32>
        %add3A_229 = arith.addi %iota3A_226, %add3A_228 : vector<1536x128xi32>
        %lt3A_230 = arith.cmpi slt, %iota3A_225, %add3A_229 : vector<1536x128xi32>
        %and3A_231 = arith.andi %eq3A_224, %lt3A_230 : vector<1536x128xi1>
        %reduce_or3A_232 = arith.constant 1.000000e+00 : f32
        %reduce_or3A_233 = arith.constant 0.000000e+00 : f32
        %reduce_or3A_234 = vector.broadcast %reduce_or3A_232 : f32 to vector<1536x128xf32>
        %reduce_or3A_235 = vector.broadcast %reduce_or3A_233 : f32 to vector<1536x128xf32>
        %reduce_or3A_236 = arith.select %and3A_231, %reduce_or3A_234, %reduce_or3A_235 : vector<1536x128xi1>, vector<1536x128xf32>
        %reduce_or3A_237 = arith.constant dense<0xFF800000> : vector<128xf32>
        %reduce_or3A_238 = vector.multi_reduction <maximumf>, %reduce_or3A_236, %reduce_or3A_237 [0] : vector<1536x128xf32> to vector<128xf32>
        %reduce_or3A_239 = arith.constant 0.000000e+00 : f32
        %reduce_or3A_240 = vector.broadcast %reduce_or3A_239 : f32 to vector<128xf32>
        %reduce_or3A_241 = arith.cmpf ogt, %reduce_or3A_238, %reduce_or3A_240 : vector<128xf32>
        %broadcast_in_dim3A_242 = vector.shape_cast %reduce_or3A_241 : vector<128xi1> to vector<1x128xi1>
        %iota3A_243 = tpu.iota {dimensions = array<i32: 1>} : vector<1x128xi32>
        %add3A_244 = arith.constant 384 : i32
        %add3A_245 = vector.broadcast %add3A_244 : i32 to vector<1x128xi32>
        %add3A_246 = arith.addi %iota3A_243, %add3A_245 : vector<1x128xi32>
        %lt3A_247 = arith.constant 1500 : i32
        %lt3A_248 = vector.broadcast %lt3A_247 : i32 to vector<1x128xi32>
        %lt3A_249 = arith.cmpi slt, %add3A_246, %lt3A_248 : vector<1x128xi32>
        %not3A_250 = arith.constant dense<true> : vector<1x128xi1>
        %not3A_251 = arith.xori %broadcast_in_dim3A_242, %not3A_250 : vector<1x128xi1>
        %and3A_252 = arith.andi %not3A_251, %lt3A_249 : vector<1x128xi1>
        %jit3A_253 = arith.constant 1.000000e+00 : f32
        %jit3A_254 = arith.constant 0.000000e+00 : f32
        %broadcast_in_dim3A_255 = vector.broadcast %jit3A_253 : f32 to vector<1x128xf32>
        %broadcast_in_dim3A_256 = vector.broadcast %jit3A_254 : f32 to vector<1x128xf32>
        %select_n3A_257 = arith.select %and3A_252, %broadcast_in_dim3A_255, %broadcast_in_dim3A_256 : vector<1x128xi1>, vector<1x128xf32>
        %swap3A_258 = arith.constant 0 : index
        %swap3A_259 = arith.constant 384 : index
        %swap3A_260 = vector.load %arg10[%swap3A_258, %swap3A_259] : memref<1x1536xf32, #tpu.memory_space<vmem>>, vector<1x128xf32>
        tpu.vector_store %arg10[%swap3A_258, %swap3A_259], %select_n3A_257 {strides = array<i32>} : memref<1x1536xf32, #tpu.memory_space<vmem>>, vector<1x128xf32>,
        %slice3A_261 = vector.extract_strided_slice %get3A_98 {offsets = [0, 512], sizes = [1, 128], strides = [1, 1]} : vector<1x1536xi32> to vector<1x128xi32>
        %eq3A_262 = vector.broadcast %get3A_101 : vector<1536x1xi32> to vector<1536x128xi32>
        %eq3A_263 = vector.broadcast %slice3A_261 : vector<1x128xi32> to vector<1536x128xi32>
        %eq3A_264 = arith.cmpi eq, %eq3A_262, %eq3A_263 : vector<1536x128xi32>
        %iota3A_265 = tpu.iota {dimensions = array<i32: 0>} : vector<1536x128xi32>
        %iota3A_266 = tpu.iota {dimensions = array<i32: 1>} : vector<1536x128xi32>
        %add3A_267 = arith.constant 512 : i32
        %add3A_268 = vector.broadcast %add3A_267 : i32 to vector<1536x128xi32>
        %add3A_269 = arith.addi %iota3A_266, %add3A_268 : vector<1536x128xi32>
        %lt3A_270 = arith.cmpi slt, %iota3A_265, %add3A_269 : vector<1536x128xi32>
        %and3A_271 = arith.andi %eq3A_264, %lt3A_270 : vector<1536x128xi1>
        %reduce_or3A_272 = arith.constant 1.000000e+00 : f32
        %reduce_or3A_273 = arith.constant 0.000000e+00 : f32
        %reduce_or3A_274 = vector.broadcast %reduce_or3A_272 : f32 to vector<1536x128xf32>
        %reduce_or3A_275 = vector.broadcast %reduce_or3A_273 : f32 to vector<1536x128xf32>
        %reduce_or3A_276 = arith.select %and3A_271, %reduce_or3A_274, %reduce_or3A_275 : vector<1536x128xi1>, vector<1536x128xf32>
        %reduce_or3A_277 = arith.constant dense<0xFF800000> : vector<128xf32>
        %reduce_or3A_278 = vector.multi_reduction <maximumf>, %reduce_or3A_276, %reduce_or3A_277 [0] : vector<1536x128xf32> to vector<128xf32>
        %reduce_or3A_279 = arith.constant 0.000000e+00 : f32
        %reduce_or3A_280 = vector.broadcast %reduce_or3A_279 : f32 to vector<128xf32>
        %reduce_or3A_281 = arith.cmpf ogt, %reduce_or3A_278, %reduce_or3A_280 : vector<128xf32>
        %broadcast_in_dim3A_282 = vector.shape_cast %reduce_or3A_281 : vector<128xi1> to vector<1x128xi1>
        %iota3A_283 = tpu.iota {dimensions = array<i32: 1>} : vector<1x128xi32>
        %add3A_284 = arith.constant 512 : i32
        %add3A_285 = vector.broadcast %add3A_284 : i32 to vector<1x128xi32>
        %add3A_286 = arith.addi %iota3A_283, %add3A_285 : vector<1x128xi32>
        %lt3A_287 = arith.constant 1500 : i32
        %lt3A_288 = vector.broadcast %lt3A_287 : i32 to vector<1x128xi32>
        %lt3A_289 = arith.cmpi slt, %add3A_286, %lt3A_288 : vector<1x128xi32>
        %not3A_290 = arith.constant dense<true> : vector<1x128xi1>
        %not3A_291 = arith.xori %broadcast_in_dim3A_282, %not3A_290 : vector<1x128xi1>
        %and3A_292 = arith.andi %not3A_291, %lt3A_289 : vector<1x128xi1>
        %jit3A_293 = arith.constant 1.000000e+00 : f32
        %jit3A_294 = arith.constant 0.000000e+00 : f32
        %broadcast_in_dim3A_295 = vector.broadcast %jit3A_293 : f32 to vector<1x128xf32>
        %broadcast_in_dim3A_296 = vector.broadcast %jit3A_294 : f32 to vector<1x128xf32>
        %select_n3A_297 = arith.select %and3A_292, %broadcast_in_dim3A_295, %broadcast_in_dim3A_296 : vector<1x128xi1>, vector<1x128xf32>
        %swap3A_298 = arith.constant 0 : index
        %swap3A_299 = arith.constant 512 : index
        %swap3A_300 = vector.load %arg10[%swap3A_298, %swap3A_299] : memref<1x1536xf32, #tpu.memory_space<vmem>>, vector<1x128xf32>
        tpu.vector_store %arg10[%swap3A_298, %swap3A_299], %select_n3A_297 {strides = array<i32>} : memref<1x1536xf32, #tpu.memory_space<vmem>>, vector<1x128xf32>,
        %slice3A_301 = vector.extract_strided_slice %get3A_98 {offsets = [0, 640], sizes = [1, 128], strides = [1, 1]} : vector<1x1536xi32> to vector<1x128xi32>
        %eq3A_302 = vector.broadcast %get3A_101 : vector<1536x1xi32> to vector<1536x128xi32>
        %eq3A_303 = vector.broadcast %slice3A_301 : vector<1x128xi32> to vector<1536x128xi32>
        %eq3A_304 = arith.cmpi eq, %eq3A_302, %eq3A_303 : vector<1536x128xi32>
        %iota3A_305 = tpu.iota {dimensions = array<i32: 0>} : vector<1536x128xi32>
        %iota3A_306 = tpu.iota {dimensions = array<i32: 1>} : vector<1536x128xi32>
        %add3A_307 = arith.constant 640 : i32
        %add3A_308 = vector.broadcast %add3A_307 : i32 to vector<1536x128xi32>
        %add3A_309 = arith.addi %iota3A_306, %add3A_308 : vector<1536x128xi32>
        %lt3A_310 = arith.cmpi slt, %iota3A_305, %add3A_309 : vector<1536x128xi32>
        %and3A_311 = arith.andi %eq3A_304, %lt3A_310 : vector<1536x128xi1>
        %reduce_or3A_312 = arith.constant 1.000000e+00 : f32
        %reduce_or3A_313 = arith.constant 0.000000e+00 : f32
        %reduce_or3A_314 = vector.broadcast %reduce_or3A_312 : f32 to vector<1536x128xf32>
        %reduce_or3A_315 = vector.broadcast %reduce_or3A_313 : f32 to vector<1536x128xf32>
        %reduce_or3A_316 = arith.select %and3A_311, %reduce_or3A_314, %reduce_or3A_315 : vector<1536x128xi1>, vector<1536x128xf32>
        %reduce_or3A_317 = arith.constant dense<0xFF800000> : vector<128xf32>
        %reduce_or3A_318 = vector.multi_reduction <maximumf>, %reduce_or3A_316, %reduce_or3A_317 [0] : vector<1536x128xf32> to vector<128xf32>
        %reduce_or3A_319 = arith.constant 0.000000e+00 : f32
        %reduce_or3A_320 = vector.broadcast %reduce_or3A_319 : f32 to vector<128xf32>
        %reduce_or3A_321 = arith.cmpf ogt, %reduce_or3A_318, %reduce_or3A_320 : vector<128xf32>
        %broadcast_in_dim3A_322 = vector.shape_cast %reduce_or3A_321 : vector<128xi1> to vector<1x128xi1>
        %iota3A_323 = tpu.iota {dimensions = array<i32: 1>} : vector<1x128xi32>
        %add3A_324 = arith.constant 640 : i32
        %add3A_325 = vector.broadcast %add3A_324 : i32 to vector<1x128xi32>
        %add3A_326 = arith.addi %iota3A_323, %add3A_325 : vector<1x128xi32>
        %lt3A_327 = arith.constant 1500 : i32
        %lt3A_328 = vector.broadcast %lt3A_327 : i32 to vector<1x128xi32>
        %lt3A_329 = arith.cmpi slt, %add3A_326, %lt3A_328 : vector<1x128xi32>
        %not3A_330 = arith.constant dense<true> : vector<1x128xi1>
        %not3A_331 = arith.xori %broadcast_in_dim3A_322, %not3A_330 : vector<1x128xi1>
        %and3A_332 = arith.andi %not3A_331, %lt3A_329 : vector<1x128xi1>
        %jit3A_333 = arith.constant 1.000000e+00 : f32
        %jit3A_334 = arith.constant 0.000000e+00 : f32
        %broadcast_in_dim3A_335 = vector.broadcast %jit3A_333 : f32 to vector<1x128xf32>
        %broadcast_in_dim3A_336 = vector.broadcast %jit3A_334 : f32 to vector<1x128xf32>
        %select_n3A_337 = arith.select %and3A_332, %broadcast_in_dim3A_335, %broadcast_in_dim3A_336 : vector<1x128xi1>, vector<1x128xf32>
        %swap3A_338 = arith.constant 0 : index
        %swap3A_339 = arith.constant 640 : index
        %swap3A_340 = vector.load %arg10[%swap3A_338, %swap3A_339] : memref<1x1536xf32, #tpu.memory_space<vmem>>, vector<1x128xf32>
        tpu.vector_store %arg10[%swap3A_338, %swap3A_339], %select_n3A_337 {strides = array<i32>} : memref<1x1536xf32, #tpu.memory_space<vmem>>, vector<1x128xf32>,
        %slice3A_341 = vector.extract_strided_slice %get3A_98 {offsets = [0, 768], sizes = [1, 128], strides = [1, 1]} : vector<1x1536xi32> to vector<1x128xi32>
        %eq3A_342 = vector.broadcast %get3A_101 : vector<1536x1xi32> to vector<1536x128xi32>
        %eq3A_343 = vector.broadcast %slice3A_341 : vector<1x128xi32> to vector<1536x128xi32>
        %eq3A_344 = arith.cmpi eq, %eq3A_342, %eq3A_343 : vector<1536x128xi32>
        %iota3A_345 = tpu.iota {dimensions = array<i32: 0>} : vector<1536x128xi32>
        %iota3A_346 = tpu.iota {dimensions = array<i32: 1>} : vector<1536x128xi32>
        %add3A_347 = arith.constant 768 : i32
        %add3A_348 = vector.broadcast %add3A_347 : i32 to vector<1536x128xi32>
        %add3A_349 = arith.addi %iota3A_346, %add3A_348 : vector<1536x128xi32>
        %lt3A_350 = arith.cmpi slt, %iota3A_345, %add3A_349 : vector<1536x128xi32>
        %and3A_351 = arith.andi %eq3A_344, %lt3A_350 : vector<1536x128xi1>
        %reduce_or3A_352 = arith.constant 1.000000e+00 : f32
        %reduce_or3A_353 = arith.constant 0.000000e+00 : f32
        %reduce_or3A_354 = vector.broadcast %reduce_or3A_352 : f32 to vector<1536x128xf32>
        %reduce_or3A_355 = vector.broadcast %reduce_or3A_353 : f32 to vector<1536x128xf32>
        %reduce_or3A_356 = arith.select %and3A_351, %reduce_or3A_354, %reduce_or3A_355 : vector<1536x128xi1>, vector<1536x128xf32>
        %reduce_or3A_357 = arith.constant dense<0xFF800000> : vector<128xf32>
        %reduce_or3A_358 = vector.multi_reduction <maximumf>, %reduce_or3A_356, %reduce_or3A_357 [0] : vector<1536x128xf32> to vector<128xf32>
        %reduce_or3A_359 = arith.constant 0.000000e+00 : f32
        %reduce_or3A_360 = vector.broadcast %reduce_or3A_359 : f32 to vector<128xf32>
        %reduce_or3A_361 = arith.cmpf ogt, %reduce_or3A_358, %reduce_or3A_360 : vector<128xf32>
        %broadcast_in_dim3A_362 = vector.shape_cast %reduce_or3A_361 : vector<128xi1> to vector<1x128xi1>
        %iota3A_363 = tpu.iota {dimensions = array<i32: 1>} : vector<1x128xi32>
        %add3A_364 = arith.constant 768 : i32
        %add3A_365 = vector.broadcast %add3A_364 : i32 to vector<1x128xi32>
        %add3A_366 = arith.addi %iota3A_363, %add3A_365 : vector<1x128xi32>
        %lt3A_367 = arith.constant 1500 : i32
        %lt3A_368 = vector.broadcast %lt3A_367 : i32 to vector<1x128xi32>
        %lt3A_369 = arith.cmpi slt, %add3A_366, %lt3A_368 : vector<1x128xi32>
        %not3A_370 = arith.constant dense<true> : vector<1x128xi1>
        %not3A_371 = arith.xori %broadcast_in_dim3A_362, %not3A_370 : vector<1x128xi1>
        %and3A_372 = arith.andi %not3A_371, %lt3A_369 : vector<1x128xi1>
        %jit3A_373 = arith.constant 1.000000e+00 : f32
        %jit3A_374 = arith.constant 0.000000e+00 : f32
        %broadcast_in_dim3A_375 = vector.broadcast %jit3A_373 : f32 to vector<1x128xf32>
        %broadcast_in_dim3A_376 = vector.broadcast %jit3A_374 : f32 to vector<1x128xf32>
        %select_n3A_377 = arith.select %and3A_372, %broadcast_in_dim3A_375, %broadcast_in_dim3A_376 : vector<1x128xi1>, vector<1x128xf32>
        %swap3A_378 = arith.constant 0 : index
        %swap3A_379 = arith.constant 768 : index
        %swap3A_380 = vector.load %arg10[%swap3A_378, %swap3A_379] : memref<1x1536xf32, #tpu.memory_space<vmem>>, vector<1x128xf32>
        tpu.vector_store %arg10[%swap3A_378, %swap3A_379], %select_n3A_377 {strides = array<i32>} : memref<1x1536xf32, #tpu.memory_space<vmem>>, vector<1x128xf32>,
        %slice3A_381 = vector.extract_strided_slice %get3A_98 {offsets = [0, 896], sizes = [1, 128], strides = [1, 1]} : vector<1x1536xi32> to vector<1x128xi32>
        %eq3A_382 = vector.broadcast %get3A_101 : vector<1536x1xi32> to vector<1536x128xi32>
        %eq3A_383 = vector.broadcast %slice3A_381 : vector<1x128xi32> to vector<1536x128xi32>
        %eq3A_384 = arith.cmpi eq, %eq3A_382, %eq3A_383 : vector<1536x128xi32>
        %iota3A_385 = tpu.iota {dimensions = array<i32: 0>} : vector<1536x128xi32>
        %iota3A_386 = tpu.iota {dimensions = array<i32: 1>} : vector<1536x128xi32>
        %add3A_387 = arith.constant 896 : i32
        %add3A_388 = vector.broadcast %add3A_387 : i32 to vector<1536x128xi32>
        %add3A_389 = arith.addi %iota3A_386, %add3A_388 : vector<1536x128xi32>
        %lt3A_390 = arith.cmpi slt, %iota3A_385, %add3A_389 : vector<1536x128xi32>
        %and3A_391 = arith.andi %eq3A_384, %lt3A_390 : vector<1536x128xi1>
        %reduce_or3A_392 = arith.constant 1.000000e+00 : f32
        %reduce_or3A_393 = arith.constant 0.000000e+00 : f32
        %reduce_or3A_394 = vector.broadcast %reduce_or3A_392 : f32 to vector<1536x128xf32>
        %reduce_or3A_395 = vector.broadcast %reduce_or3A_393 : f32 to vector<1536x128xf32>
        %reduce_or3A_396 = arith.select %and3A_391, %reduce_or3A_394, %reduce_or3A_395 : vector<1536x128xi1>, vector<1536x128xf32>
        %reduce_or3A_397 = arith.constant dense<0xFF800000> : vector<128xf32>
        %reduce_or3A_398 = vector.multi_reduction <maximumf>, %reduce_or3A_396, %reduce_or3A_397 [0] : vector<1536x128xf32> to vector<128xf32>
        %reduce_or3A_399 = arith.constant 0.000000e+00 : f32
        %reduce_or3A_400 = vector.broadcast %reduce_or3A_399 : f32 to vector<128xf32>
        %reduce_or3A_401 = arith.cmpf ogt, %reduce_or3A_398, %reduce_or3A_400 : vector<128xf32>
        %broadcast_in_dim3A_402 = vector.shape_cast %reduce_or3A_401 : vector<128xi1> to vector<1x128xi1>
        %iota3A_403 = tpu.iota {dimensions = array<i32: 1>} : vector<1x128xi32>
        %add3A_404 = arith.constant 896 : i32
        %add3A_405 = vector.broadcast %add3A_404 : i32 to vector<1x128xi32>
        %add3A_406 = arith.addi %iota3A_403, %add3A_405 : vector<1x128xi32>
        %lt3A_407 = arith.constant 1500 : i32
        %lt3A_408 = vector.broadcast %lt3A_407 : i32 to vector<1x128xi32>
        %lt3A_409 = arith.cmpi slt, %add3A_406, %lt3A_408 : vector<1x128xi32>
        %not3A_410 = arith.constant dense<true> : vector<1x128xi1>
        %not3A_411 = arith.xori %broadcast_in_dim3A_402, %not3A_410 : vector<1x128xi1>
        %and3A_412 = arith.andi %not3A_411, %lt3A_409 : vector<1x128xi1>
        %jit3A_413 = arith.constant 1.000000e+00 : f32
        %jit3A_414 = arith.constant 0.000000e+00 : f32
        %broadcast_in_dim3A_415 = vector.broadcast %jit3A_413 : f32 to vector<1x128xf32>
        %broadcast_in_dim3A_416 = vector.broadcast %jit3A_414 : f32 to vector<1x128xf32>
        %select_n3A_417 = arith.select %and3A_412, %broadcast_in_dim3A_415, %broadcast_in_dim3A_416 : vector<1x128xi1>, vector<1x128xf32>
        %swap3A_418 = arith.constant 0 : index
        %swap3A_419 = arith.constant 896 : index
        %swap3A_420 = vector.load %arg10[%swap3A_418, %swap3A_419] : memref<1x1536xf32, #tpu.memory_space<vmem>>, vector<1x128xf32>
        tpu.vector_store %arg10[%swap3A_418, %swap3A_419], %select_n3A_417 {strides = array<i32>} : memref<1x1536xf32, #tpu.memory_space<vmem>>, vector<1x128xf32>,
        %slice3A_421 = vector.extract_strided_slice %get3A_98 {offsets = [0, 1024], sizes = [1, 128], strides = [1, 1]} : vector<1x1536xi32> to vector<1x128xi32>
        %eq3A_422 = vector.broadcast %get3A_101 : vector<1536x1xi32> to vector<1536x128xi32>
        %eq3A_423 = vector.broadcast %slice3A_421 : vector<1x128xi32> to vector<1536x128xi32>
        %eq3A_424 = arith.cmpi eq, %eq3A_422, %eq3A_423 : vector<1536x128xi32>
        %iota3A_425 = tpu.iota {dimensions = array<i32: 0>} : vector<1536x128xi32>
        %iota3A_426 = tpu.iota {dimensions = array<i32: 1>} : vector<1536x128xi32>
        %add3A_427 = arith.constant 1024 : i32
        %add3A_428 = vector.broadcast %add3A_427 : i32 to vector<1536x128xi32>
        %add3A_429 = arith.addi %iota3A_426, %add3A_428 : vector<1536x128xi32>
        %lt3A_430 = arith.cmpi slt, %iota3A_425, %add3A_429 : vector<1536x128xi32>
        %and3A_431 = arith.andi %eq3A_424, %lt3A_430 : vector<1536x128xi1>
        %reduce_or3A_432 = arith.constant 1.000000e+00 : f32
        %reduce_or3A_433 = arith.constant 0.000000e+00 : f32
        %reduce_or3A_434 = vector.broadcast %reduce_or3A_432 : f32 to vector<1536x128xf32>
        %reduce_or3A_435 = vector.broadcast %reduce_or3A_433 : f32 to vector<1536x128xf32>
        %reduce_or3A_436 = arith.select %and3A_431, %reduce_or3A_434, %reduce_or3A_435 : vector<1536x128xi1>, vector<1536x128xf32>
        %reduce_or3A_437 = arith.constant dense<0xFF800000> : vector<128xf32>
        %reduce_or3A_438 = vector.multi_reduction <maximumf>, %reduce_or3A_436, %reduce_or3A_437 [0] : vector<1536x128xf32> to vector<128xf32>
        %reduce_or3A_439 = arith.constant 0.000000e+00 : f32
        %reduce_or3A_440 = vector.broadcast %reduce_or3A_439 : f32 to vector<128xf32>
        %reduce_or3A_441 = arith.cmpf ogt, %reduce_or3A_438, %reduce_or3A_440 : vector<128xf32>
        %broadcast_in_dim3A_442 = vector.shape_cast %reduce_or3A_441 : vector<128xi1> to vector<1x128xi1>
        %iota3A_443 = tpu.iota {dimensions = array<i32: 1>} : vector<1x128xi32>
        %add3A_444 = arith.constant 1024 : i32
        %add3A_445 = vector.broadcast %add3A_444 : i32 to vector<1x128xi32>
        %add3A_446 = arith.addi %iota3A_443, %add3A_445 : vector<1x128xi32>
        %lt3A_447 = arith.constant 1500 : i32
        %lt3A_448 = vector.broadcast %lt3A_447 : i32 to vector<1x128xi32>
        %lt3A_449 = arith.cmpi slt, %add3A_446, %lt3A_448 : vector<1x128xi32>
        %not3A_450 = arith.constant dense<true> : vector<1x128xi1>
        %not3A_451 = arith.xori %broadcast_in_dim3A_442, %not3A_450 : vector<1x128xi1>
        %and3A_452 = arith.andi %not3A_451, %lt3A_449 : vector<1x128xi1>
        %jit3A_453 = arith.constant 1.000000e+00 : f32
        %jit3A_454 = arith.constant 0.000000e+00 : f32
        %broadcast_in_dim3A_455 = vector.broadcast %jit3A_453 : f32 to vector<1x128xf32>
        %broadcast_in_dim3A_456 = vector.broadcast %jit3A_454 : f32 to vector<1x128xf32>
        %select_n3A_457 = arith.select %and3A_452, %broadcast_in_dim3A_455, %broadcast_in_dim3A_456 : vector<1x128xi1>, vector<1x128xf32>
        %swap3A_458 = arith.constant 0 : index
        %swap3A_459 = arith.constant 1024 : index
        %swap3A_460 = vector.load %arg10[%swap3A_458, %swap3A_459] : memref<1x1536xf32, #tpu.memory_space<vmem>>, vector<1x128xf32>
        tpu.vector_store %arg10[%swap3A_458, %swap3A_459], %select_n3A_457 {strides = array<i32>} : memref<1x1536xf32, #tpu.memory_space<vmem>>, vector<1x128xf32>,
        %slice3A_461 = vector.extract_strided_slice %get3A_98 {offsets = [0, 1152], sizes = [1, 128], strides = [1, 1]} : vector<1x1536xi32> to vector<1x128xi32>
        %eq3A_462 = vector.broadcast %get3A_101 : vector<1536x1xi32> to vector<1536x128xi32>
        %eq3A_463 = vector.broadcast %slice3A_461 : vector<1x128xi32> to vector<1536x128xi32>
        %eq3A_464 = arith.cmpi eq, %eq3A_462, %eq3A_463 : vector<1536x128xi32>
        %iota3A_465 = tpu.iota {dimensions = array<i32: 0>} : vector<1536x128xi32>
        %iota3A_466 = tpu.iota {dimensions = array<i32: 1>} : vector<1536x128xi32>
        %add3A_467 = arith.constant 1152 : i32
        %add3A_468 = vector.broadcast %add3A_467 : i32 to vector<1536x128xi32>
        %add3A_469 = arith.addi %iota3A_466, %add3A_468 : vector<1536x128xi32>
        %lt3A_470 = arith.cmpi slt, %iota3A_465, %add3A_469 : vector<1536x128xi32>
        %and3A_471 = arith.andi %eq3A_464, %lt3A_470 : vector<1536x128xi1>
        %reduce_or3A_472 = arith.constant 1.000000e+00 : f32
        %reduce_or3A_473 = arith.constant 0.000000e+00 : f32
        %reduce_or3A_474 = vector.broadcast %reduce_or3A_472 : f32 to vector<1536x128xf32>
        %reduce_or3A_475 = vector.broadcast %reduce_or3A_473 : f32 to vector<1536x128xf32>
        %reduce_or3A_476 = arith.select %and3A_471, %reduce_or3A_474, %reduce_or3A_475 : vector<1536x128xi1>, vector<1536x128xf32>
        %reduce_or3A_477 = arith.constant dense<0xFF800000> : vector<128xf32>
        %reduce_or3A_478 = vector.multi_reduction <maximumf>, %reduce_or3A_476, %reduce_or3A_477 [0] : vector<1536x128xf32> to vector<128xf32>
        %reduce_or3A_479 = arith.constant 0.000000e+00 : f32
        %reduce_or3A_480 = vector.broadcast %reduce_or3A_479 : f32 to vector<128xf32>
        %reduce_or3A_481 = arith.cmpf ogt, %reduce_or3A_478, %reduce_or3A_480 : vector<128xf32>
        %broadcast_in_dim3A_482 = vector.shape_cast %reduce_or3A_481 : vector<128xi1> to vector<1x128xi1>
        %iota3A_483 = tpu.iota {dimensions = array<i32: 1>} : vector<1x128xi32>
        %add3A_484 = arith.constant 1152 : i32
        %add3A_485 = vector.broadcast %add3A_484 : i32 to vector<1x128xi32>
        %add3A_486 = arith.addi %iota3A_483, %add3A_485 : vector<1x128xi32>
        %lt3A_487 = arith.constant 1500 : i32
        %lt3A_488 = vector.broadcast %lt3A_487 : i32 to vector<1x128xi32>
        %lt3A_489 = arith.cmpi slt, %add3A_486, %lt3A_488 : vector<1x128xi32>
        %not3A_490 = arith.constant dense<true> : vector<1x128xi1>
        %not3A_491 = arith.xori %broadcast_in_dim3A_482, %not3A_490 : vector<1x128xi1>
        %and3A_492 = arith.andi %not3A_491, %lt3A_489 : vector<1x128xi1>
        %jit3A_493 = arith.constant 1.000000e+00 : f32
        %jit3A_494 = arith.constant 0.000000e+00 : f32
        %broadcast_in_dim3A_495 = vector.broadcast %jit3A_493 : f32 to vector<1x128xf32>
        %broadcast_in_dim3A_496 = vector.broadcast %jit3A_494 : f32 to vector<1x128xf32>
        %select_n3A_497 = arith.select %and3A_492, %broadcast_in_dim3A_495, %broadcast_in_dim3A_496 : vector<1x128xi1>, vector<1x128xf32>
        %swap3A_498 = arith.constant 0 : index
        %swap3A_499 = arith.constant 1152 : index
        %swap3A_500 = vector.load %arg10[%swap3A_498, %swap3A_499] : memref<1x1536xf32, #tpu.memory_space<vmem>>, vector<1x128xf32>
        tpu.vector_store %arg10[%swap3A_498, %swap3A_499], %select_n3A_497 {strides = array<i32>} : memref<1x1536xf32, #tpu.memory_space<vmem>>, vector<1x128xf32>,
        %slice3A_501 = vector.extract_strided_slice %get3A_98 {offsets = [0, 1280], sizes = [1, 128], strides = [1, 1]} : vector<1x1536xi32> to vector<1x128xi32>
        %eq3A_502 = vector.broadcast %get3A_101 : vector<1536x1xi32> to vector<1536x128xi32>
        %eq3A_503 = vector.broadcast %slice3A_501 : vector<1x128xi32> to vector<1536x128xi32>
        %eq3A_504 = arith.cmpi eq, %eq3A_502, %eq3A_503 : vector<1536x128xi32>
        %iota3A_505 = tpu.iota {dimensions = array<i32: 0>} : vector<1536x128xi32>
        %iota3A_506 = tpu.iota {dimensions = array<i32: 1>} : vector<1536x128xi32>
        %add3A_507 = arith.constant 1280 : i32
        %add3A_508 = vector.broadcast %add3A_507 : i32 to vector<1536x128xi32>
        %add3A_509 = arith.addi %iota3A_506, %add3A_508 : vector<1536x128xi32>
        %lt3A_510 = arith.cmpi slt, %iota3A_505, %add3A_509 : vector<1536x128xi32>
        %and3A_511 = arith.andi %eq3A_504, %lt3A_510 : vector<1536x128xi1>
        %reduce_or3A_512 = arith.constant 1.000000e+00 : f32
        %reduce_or3A_513 = arith.constant 0.000000e+00 : f32
        %reduce_or3A_514 = vector.broadcast %reduce_or3A_512 : f32 to vector<1536x128xf32>
        %reduce_or3A_515 = vector.broadcast %reduce_or3A_513 : f32 to vector<1536x128xf32>
        %reduce_or3A_516 = arith.select %and3A_511, %reduce_or3A_514, %reduce_or3A_515 : vector<1536x128xi1>, vector<1536x128xf32>
        %reduce_or3A_517 = arith.constant dense<0xFF800000> : vector<128xf32>
        %reduce_or3A_518 = vector.multi_reduction <maximumf>, %reduce_or3A_516, %reduce_or3A_517 [0] : vector<1536x128xf32> to vector<128xf32>
        %reduce_or3A_519 = arith.constant 0.000000e+00 : f32
        %reduce_or3A_520 = vector.broadcast %reduce_or3A_519 : f32 to vector<128xf32>
        %reduce_or3A_521 = arith.cmpf ogt, %reduce_or3A_518, %reduce_or3A_520 : vector<128xf32>
        %broadcast_in_dim3A_522 = vector.shape_cast %reduce_or3A_521 : vector<128xi1> to vector<1x128xi1>
        %iota3A_523 = tpu.iota {dimensions = array<i32: 1>} : vector<1x128xi32>
        %add3A_524 = arith.constant 1280 : i32
        %add3A_525 = vector.broadcast %add3A_524 : i32 to vector<1x128xi32>
        %add3A_526 = arith.addi %iota3A_523, %add3A_525 : vector<1x128xi32>
        %lt3A_527 = arith.constant 1500 : i32
        %lt3A_528 = vector.broadcast %lt3A_527 : i32 to vector<1x128xi32>
        %lt3A_529 = arith.cmpi slt, %add3A_526, %lt3A_528 : vector<1x128xi32>
        %not3A_530 = arith.constant dense<true> : vector<1x128xi1>
        %not3A_531 = arith.xori %broadcast_in_dim3A_522, %not3A_530 : vector<1x128xi1>
        %and3A_532 = arith.andi %not3A_531, %lt3A_529 : vector<1x128xi1>
        %jit3A_533 = arith.constant 1.000000e+00 : f32
        %jit3A_534 = arith.constant 0.000000e+00 : f32
        %broadcast_in_dim3A_535 = vector.broadcast %jit3A_533 : f32 to vector<1x128xf32>
        %broadcast_in_dim3A_536 = vector.broadcast %jit3A_534 : f32 to vector<1x128xf32>
        %select_n3A_537 = arith.select %and3A_532, %broadcast_in_dim3A_535, %broadcast_in_dim3A_536 : vector<1x128xi1>, vector<1x128xf32>
        %swap3A_538 = arith.constant 0 : index
        %swap3A_539 = arith.constant 1280 : index
        %swap3A_540 = vector.load %arg10[%swap3A_538, %swap3A_539] : memref<1x1536xf32, #tpu.memory_space<vmem>>, vector<1x128xf32>
        tpu.vector_store %arg10[%swap3A_538, %swap3A_539], %select_n3A_537 {strides = array<i32>} : memref<1x1536xf32, #tpu.memory_space<vmem>>, vector<1x128xf32>,
        %slice3A_541 = vector.extract_strided_slice %get3A_98 {offsets = [0, 1408], sizes = [1, 128], strides = [1, 1]} : vector<1x1536xi32> to vector<1x128xi32>
        %eq3A_542 = vector.broadcast %get3A_101 : vector<1536x1xi32> to vector<1536x128xi32>
        %eq3A_543 = vector.broadcast %slice3A_541 : vector<1x128xi32> to vector<1536x128xi32>
        %eq3A_544 = arith.cmpi eq, %eq3A_542, %eq3A_543 : vector<1536x128xi32>
        %iota3A_545 = tpu.iota {dimensions = array<i32: 0>} : vector<1536x128xi32>
        %iota3A_546 = tpu.iota {dimensions = array<i32: 1>} : vector<1536x128xi32>
        %add3A_547 = arith.constant 1408 : i32
        %add3A_548 = vector.broadcast %add3A_547 : i32 to vector<1536x128xi32>
        %add3A_549 = arith.addi %iota3A_546, %add3A_548 : vector<1536x128xi32>
        %lt3A_550 = arith.cmpi slt, %iota3A_545, %add3A_549 : vector<1536x128xi32>
        %and3A_551 = arith.andi %eq3A_544, %lt3A_550 : vector<1536x128xi1>
        %reduce_or3A_552 = arith.constant 1.000000e+00 : f32
        %reduce_or3A_553 = arith.constant 0.000000e+00 : f32
        %reduce_or3A_554 = vector.broadcast %reduce_or3A_552 : f32 to vector<1536x128xf32>
        %reduce_or3A_555 = vector.broadcast %reduce_or3A_553 : f32 to vector<1536x128xf32>
        %reduce_or3A_556 = arith.select %and3A_551, %reduce_or3A_554, %reduce_or3A_555 : vector<1536x128xi1>, vector<1536x128xf32>
        %reduce_or3A_557 = arith.constant dense<0xFF800000> : vector<128xf32>
        %reduce_or3A_558 = vector.multi_reduction <maximumf>, %reduce_or3A_556, %reduce_or3A_557 [0] : vector<1536x128xf32> to vector<128xf32>
        %reduce_or3A_559 = arith.constant 0.000000e+00 : f32
        %reduce_or3A_560 = vector.broadcast %reduce_or3A_559 : f32 to vector<128xf32>
        %reduce_or3A_561 = arith.cmpf ogt, %reduce_or3A_558, %reduce_or3A_560 : vector<128xf32>
        %broadcast_in_dim3A_562 = vector.shape_cast %reduce_or3A_561 : vector<128xi1> to vector<1x128xi1>
        %iota3A_563 = tpu.iota {dimensions = array<i32: 1>} : vector<1x128xi32>
        %add3A_564 = arith.constant 1408 : i32
        %add3A_565 = vector.broadcast %add3A_564 : i32 to vector<1x128xi32>
        %add3A_566 = arith.addi %iota3A_563, %add3A_565 : vector<1x128xi32>
        %lt3A_567 = arith.constant 1500 : i32
        %lt3A_568 = vector.broadcast %lt3A_567 : i32 to vector<1x128xi32>
        %lt3A_569 = arith.cmpi slt, %add3A_566, %lt3A_568 : vector<1x128xi32>
        %not3A_570 = arith.constant dense<true> : vector<1x128xi1>
        %not3A_571 = arith.xori %broadcast_in_dim3A_562, %not3A_570 : vector<1x128xi1>
        %and3A_572 = arith.andi %not3A_571, %lt3A_569 : vector<1x128xi1>
        %jit3A_573 = arith.constant 1.000000e+00 : f32
        %jit3A_574 = arith.constant 0.000000e+00 : f32
        %broadcast_in_dim3A_575 = vector.broadcast %jit3A_573 : f32 to vector<1x128xf32>
        %broadcast_in_dim3A_576 = vector.broadcast %jit3A_574 : f32 to vector<1x128xf32>
        %select_n3A_577 = arith.select %and3A_572, %broadcast_in_dim3A_575, %broadcast_in_dim3A_576 : vector<1x128xi1>, vector<1x128xf32>
        %swap3A_578 = arith.constant 0 : index
        %swap3A_579 = arith.constant 1408 : index
        %swap3A_580 = vector.load %arg10[%swap3A_578, %swap3A_579] : memref<1x1536xf32, #tpu.memory_space<vmem>>, vector<1x128xf32>
        tpu.vector_store %arg10[%swap3A_578, %swap3A_579], %select_n3A_577 {strides = array<i32>} : memref<1x1536xf32, #tpu.memory_space<vmem>>, vector<1x128xf32>,
        %broadcast_in_dim3A_581 = arith.constant 0.000000e+00 : f32
        %broadcast_in_dim3A_582 = vector.broadcast %broadcast_in_dim3A_581 : f32 to vector<1x1xf32>
        %swap3A_583 = arith.constant 0 : index
        %swap3A_584 = arith.constant 0 : index
        %swap3A_585 = vector.load %arg11[%swap3A_583, %swap3A_584] : memref<1x1xf32, #tpu.memory_space<vmem>>, vector<1x1xf32>
        tpu.vector_store %arg11[%swap3A_583, %swap3A_584], %broadcast_in_dim3A_582 {strides = array<i32>} : memref<1x1xf32, #tpu.memory_space<vmem>>, vector<1x1xf32>,
      } else {
      }
      %get3A_17 = arith.constant 0 : index
      %get3A_18 = arith.constant 0 : index
      %get3A_19 = vector.load %arg9[%get3A_17, %get3A_18] : memref<1536x256xbf16, #tpu.memory_space<vmem>>, vector<1536x256xbf16>
      %mul3A = arith.constant 128 : i32
      %mul3A_20 = arith.muli %sub3A_6, %mul3A : i32
      %get3A_21 = arith.index_cast %mul3A_20 : i32 to index
      %get3A_22 = arith.constant 0 : index
      %get3A_23 = vector.load %arg9[%get3A_21, %get3A_22] : memref<1536x256xbf16, #tpu.memory_space<vmem>>, vector<128x256xbf16>
      %mul3A_24 = arith.constant 128 : i32
      %mul3A_25 = arith.muli %sub3A_6, %mul3A_24 : i32
      %get3A_26 = arith.index_cast %mul3A_25 : i32 to index
      %get3A_27 = arith.constant 0 : index
      %get3A_28 = vector.load %arg5[%get3A_26, %get3A_27] : memref<1536x1xi32, #tpu.memory_space<vmem>>, vector<128x1xi32>
      %get3A_29 = arith.constant 0 : index
      %get3A_30 = arith.constant 0 : index
      %get3A_31 = vector.load %arg4[%get3A_29, %get3A_30] : memref<1x1536xi32, #tpu.memory_space<vmem>>, vector<1x1536xi32>
      %eq3A_32 = vector.broadcast %get3A_28 : vector<128x1xi32> to vector<128x1536xi32>
      %eq3A_33 = vector.broadcast %get3A_31 : vector<1x1536xi32> to vector<128x1536xi32>
      %eq3A_34 = arith.cmpi eq, %eq3A_32, %eq3A_33 : vector<128x1536xi32>
      %iota3A = tpu.iota {dimensions = array<i32: 1>} : vector<128x1536xi32>
      %iota3A_35 = tpu.iota {dimensions = array<i32: 0>} : vector<128x1536xi32>
      %mul3A_36 = arith.constant 128 : i32
      %mul3A_37 = arith.muli %sub3A_6, %mul3A_36 : i32
      %add3A = vector.broadcast %mul3A_37 : i32 to vector<128x1536xi32>
      %add3A_38 = arith.addi %iota3A_35, %add3A : vector<128x1536xi32>
      %lt3A_39 = arith.cmpi slt, %iota3A, %add3A_38 : vector<128x1536xi32>
      %and3A = arith.andi %eq3A_34, %lt3A_39 : vector<128x1536xi1>
      %reduce_or3A = arith.constant 1.000000e+00 : f32
      %reduce_or3A_40 = arith.constant 0.000000e+00 : f32
      %reduce_or3A_41 = vector.broadcast %reduce_or3A : f32 to vector<128x1536xf32>
      %reduce_or3A_42 = vector.broadcast %reduce_or3A_40 : f32 to vector<128x1536xf32>
      %reduce_or3A_43 = arith.select %and3A, %reduce_or3A_41, %reduce_or3A_42 : vector<128x1536xi1>, vector<128x1536xf32>
      %reduce_or3A_44 = arith.constant dense<0xFF800000> : vector<128xf32>
      %reduce_or3A_45 = vector.multi_reduction <maximumf>, %reduce_or3A_43, %reduce_or3A_44 [1] : vector<128x1536xf32> to vector<128xf32>
      %reduce_or3A_46 = arith.constant 0.000000e+00 : f32
      %reduce_or3A_47 = vector.broadcast %reduce_or3A_46 : f32 to vector<128xf32>
      %reduce_or3A_48 = arith.cmpf ogt, %reduce_or3A_45, %reduce_or3A_47 : vector<128xf32>
      %broadcast_in_dim3A = vector.shape_cast %reduce_or3A_48 : vector<128xi1> to vector<128x1xi1>
      %iota3A_49 = tpu.iota {dimensions = array<i32: 0>} : vector<128x1xi32>
      %mul3A_50 = arith.constant 128 : i32
      %mul3A_51 = arith.muli %sub3A_6, %mul3A_50 : i32
      %add3A_52 = vector.broadcast %mul3A_51 : i32 to vector<128x1xi32>
      %add3A_53 = arith.addi %iota3A_49, %add3A_52 : vector<128x1xi32>
      %lt3A_54 = arith.constant 1500 : i32
      %lt3A_55 = vector.broadcast %lt3A_54 : i32 to vector<128x1xi32>
      %lt3A_56 = arith.cmpi slt, %add3A_53, %lt3A_55 : vector<128x1xi32>
      %not3A = arith.constant dense<true> : vector<128x1xi1>
      %not3A_57 = arith.xori %broadcast_in_dim3A, %not3A : vector<128x1xi1>
      %and3A_58 = arith.andi %not3A_57, %lt3A_56 : vector<128x1xi1>
      %jit3A = arith.constant 1.000000e+00 : f32
      %jit3A_59 = arith.constant 0.000000e+00 : f32
      %broadcast_in_dim3A_60 = vector.broadcast %jit3A : f32 to vector<128x1xf32>
      %broadcast_in_dim3A_61 = vector.broadcast %jit3A_59 : f32 to vector<128x1xf32>
      %select_n3A = arith.select %and3A_58, %broadcast_in_dim3A_60, %broadcast_in_dim3A_61 : vector<128x1xi1>, vector<128x1xf32>
      %dot_general3A = arith.constant dense<0.000000e+00> : vector<128x1536xf32>
      %dot_general3A_62 = tpu.matmul %get3A_23, %get3A_19, %dot_general3A {dimension_numbers = #tpu.dot_dimension_numbers<[1], [1], [0], [0], [0, 0, 1, 0], [], []>, transpose_lhs_hint = false} : vector<128x256xbf16>, vector<1536x256xbf16>, vector<128x1536xf32> -> vector<128x1536xf32>
      %get3A_63 = arith.constant 0 : index
      %get3A_64 = arith.constant 0 : index
      %get3A_65 = vector.load %arg11[%get3A_63, %get3A_64] : memref<1x1xf32, #tpu.memory_space<vmem>>, vector<1x1xf32>
      %exp3A = math.exp %dot_general3A_62 : vector<128x1536xf32>
      %get3A_66 = arith.constant 0 : index
      %get3A_67 = arith.constant 0 : index
      %get3A_68 = vector.load %arg10[%get3A_66, %get3A_67] : memref<1x1536xf32, #tpu.memory_space<vmem>>, vector<1x1536xf32>
      %mul3A_69 = vector.broadcast %get3A_68 : vector<1x1536xf32> to vector<128x1536xf32>
      %mul3A_70 = arith.mulf %exp3A, %mul3A_69 : vector<128x1536xf32>
      %mul3A_71 = vector.broadcast %select_n3A : vector<128x1xf32> to vector<128x1536xf32>
      %mul3A_72 = arith.mulf %mul3A_70, %mul3A_71 : vector<128x1536xf32>
      %reduce_sum3A = vector.shape_cast %mul3A_72 : vector<128x1536xf32> to vector<1x128x1536xf32>
      %reduce_sum3A_73 = arith.constant dense<0.000000e+00> : vector<1xf32>
      %reduce_sum3A_74 = vector.multi_reduction <add>, %reduce_sum3A, %reduce_sum3A_73 [1, 2] : vector<1x128x1536xf32> to vector<1xf32>
      %reduce_sum3A_75 = vector.shape_cast %reduce_sum3A_74 : vector<1xf32> to vector<1x1x1xf32>
      %reduce_sum3A_76 = vector.extract %reduce_sum3A_75[0, 0, 0] : f32 from vector<1x1x1xf32>
      %add3A_77 = vector.broadcast %reduce_sum3A_76 : f32 to vector<1x1xf32>
      %add3A_78 = arith.addf %get3A_65, %add3A_77 : vector<1x1xf32>
      %swap3A = arith.constant 0 : index
      %swap3A_79 = arith.constant 0 : index
      %swap3A_80 = vector.load %arg11[%swap3A, %swap3A_79] : memref<1x1xf32, #tpu.memory_space<vmem>>, vector<1x1xf32>
      tpu.vector_store %arg11[%swap3A, %swap3A_79], %add3A_78 {strides = array<i32>} : memref<1x1xf32, #tpu.memory_space<vmem>>, vector<1x1xf32>,
      %eq3A_81 = arith.constant 16 : i32
      %eq3A_82 = arith.cmpi eq, %arg0, %eq3A_81 : i32
      %convert_element_type3A_83 = arith.extui %eq3A_82 : i1 to i32
      %cond3A_84 = arith.constant 0 : i32
      %cond3A_85 = arith.cmpi ne, %convert_element_type3A_83, %cond3A_84 : i32
      scf.if %cond3A_85 {
        %iota3A_86 = tpu.iota {dimensions = array<i32: 0>} : vector<128x1536xi32>
        %iota3A_87 = tpu.iota {dimensions = array<i32: 1>} : vector<128x1536xi32>
        %jit3A_88 = arith.constant 15 : i32
        %div3A = vector.broadcast %jit3A_88 : i32 to vector<128x1536xi32>
        %div3A_89 = arith.divsi %iota3A_87, %div3A : vector<128x1536xi32>
        %sign3A = arith.constant 0 : i32
        %sign3A_90 = vector.broadcast %sign3A : i32 to vector<128x1536xi32>
        %sign3A_91 = arith.cmpi sgt, %iota3A_87, %sign3A_90 : vector<128x1536xi32>
        %sign3A_92 = arith.extui %sign3A_91 : vector<128x1536xi1> to vector<128x1536xi32>
        %sign3A_93 = arith.constant 0 : i32
        %sign3A_94 = vector.broadcast %sign3A_93 : i32 to vector<128x1536xi32>
        %sign3A_95 = arith.cmpi slt, %iota3A_87, %sign3A_94 : vector<128x1536xi32>
        %sign3A_96 = arith.extui %sign3A_95 : vector<128x1536xi1> to vector<128x1536xi32>
        %sign3A_97 = arith.subi %sign3A_92, %sign3A_96 : vector<128x1536xi32>
        %sign3A_98 = arith.constant 0 : i32
        %sign3A_99 = arith.cmpi sgt, %jit3A_88, %sign3A_98 : i32
        %sign3A_100 = arith.extui %sign3A_99 : i1 to i32
        %sign3A_101 = arith.constant 0 : i32
        %sign3A_102 = arith.cmpi slt, %jit3A_88, %sign3A_101 : i32
        %sign3A_103 = arith.extui %sign3A_102 : i1 to i32
        %sign3A_104 = arith.subi %sign3A_100, %sign3A_103 : i32
        %ne3A = vector.broadcast %sign3A_104 : i32 to vector<128x1536xi32>
        %ne3A_105 = arith.cmpi ne, %sign3A_97, %ne3A : vector<128x1536xi32>
        %rem3A = vector.broadcast %jit3A_88 : i32 to vector<128x1536xi32>
        %rem3A_106 = arith.remsi %iota3A_87, %rem3A : vector<128x1536xi32>
        %ne3A_107 = arith.constant 0 : i32
        %ne3A_108 = vector.broadcast %ne3A_107 : i32 to vector<128x1536xi32>
        %ne3A_109 = arith.cmpi ne, %rem3A_106, %ne3A_108 : vector<128x1536xi32>
        %and3A_110 = arith.andi %ne3A_105, %ne3A_109 : vector<128x1536xi1>
        %sub3A_111 = arith.constant 1 : i32
        %sub3A_112 = vector.broadcast %sub3A_111 : i32 to vector<128x1536xi32>
        %sub3A_113 = arith.subi %div3A_89, %sub3A_112 : vector<128x1536xi32>
        %select_n3A_114 = arith.select %and3A_110, %sub3A_113, %div3A_89 : vector<128x1536xi1>, vector<128x1536xi32>
        %eq3A_115 = arith.cmpi eq, %select_n3A_114, %iota3A_86 : vector<128x1536xi32>
        %lt3A_116 = arith.constant 1500 : i32
        %lt3A_117 = vector.broadcast %lt3A_116 : i32 to vector<128x1536xi32>
        %lt3A_118 = arith.cmpi slt, %iota3A_87, %lt3A_117 : vector<128x1536xi32>
        %and3A_119 = arith.andi %eq3A_115, %lt3A_118 : vector<128x1536xi1>
        %jit3A_120 = arith.constant 1.000000e+00 : f32
        %jit3A_121 = arith.constant 0.000000e+00 : f32
        %broadcast_in_dim3A_122 = vector.broadcast %jit3A_120 : f32 to vector<128x1536xf32>
        %broadcast_in_dim3A_123 = vector.broadcast %jit3A_121 : f32 to vector<128x1536xf32>
        %select_n3A_124 = arith.select %and3A_119, %broadcast_in_dim3A_122, %broadcast_in_dim3A_123 : vector<128x1536xi1>, vector<128x1536xf32>
        %convert_element_type3A_125 = arith.truncf %select_n3A_124 : vector<128x1536xf32> to vector<128x1536xbf16>
        %get3A_126 = arith.constant 0 : index
        %get3A_127 = arith.constant 0 : index
        %get3A_128 = vector.load %arg9[%get3A_126, %get3A_127] : memref<1536x256xbf16, #tpu.memory_space<vmem>>, vector<1536x256xbf16>
        %dot_general3A_129 = arith.constant dense<0.000000e+00> : vector<128x256xf32>
        %dot_general3A_130 = tpu.matmul %convert_element_type3A_125, %get3A_128, %dot_general3A_129 {dimension_numbers = #tpu.dot_dimension_numbers<[1], [0], [0], [1], [0, 0, 1, 1], [], []>, transpose_lhs_hint = false} : vector<128x1536xbf16>, vector<1536x256xbf16>, vector<128x256xf32> -> vector<128x256xf32>
        %get3A_131 = arith.constant 0 : index
        %get3A_132 = arith.constant 0 : index
        %get3A_133 = vector.load %arg3[%get3A_131, %get3A_132] : memref<128x256xf32, #tpu.memory_space<vmem>>, vector<128x256xf32>
        %sub3A_134 = vector.broadcast %get3A_8 : vector<1x256xf32> to vector<128x256xf32>
        %sub3A_135 = arith.subf %get3A_133, %sub3A_134 : vector<128x256xf32>
        %div3A_136 = vector.broadcast %sub3A_12 : vector<1x256xf32> to vector<128x256xf32>
        %div3A_137 = arith.divf %sub3A_135, %div3A_136 : vector<128x256xf32>
        %mul3A_138 = arith.mulf %dot_general3A_130, %div3A_137 : vector<128x256xf32>
        %reduce_sum3A_139 = vector.shape_cast %mul3A_138 : vector<128x256xf32> to vector<1x128x256xf32>
        %reduce_sum3A_140 = arith.constant dense<0.000000e+00> : vector<1xf32>
        %reduce_sum3A_141 = vector.multi_reduction <add>, %reduce_sum3A_139, %reduce_sum3A_140 [1, 2] : vector<1x128x256xf32> to vector<1xf32>
        %reduce_sum3A_142 = vector.shape_cast %reduce_sum3A_141 : vector<1xf32> to vector<1x1x1xf32>
        %reduce_sum3A_143 = vector.extract %reduce_sum3A_142[0, 0, 0] : f32 from vector<1x1x1xf32>
        %get3A_144 = arith.constant 0 : index
        %get3A_145 = arith.constant 0 : index
        %get3A_146 = vector.load %arg11[%get3A_144, %get3A_145] : memref<1x1xf32, #tpu.memory_space<vmem>>, vector<1x1xf32>
        %log3A = math.log %get3A_146 : vector<1x1xf32>
        %mul3A_147 = arith.constant 1.500000e+01 : f32
        %mul3A_148 = vector.broadcast %mul3A_147 : f32 to vector<1x1xf32>
        %mul3A_149 = arith.mulf %mul3A_148, %log3A : vector<1x1xf32>
        %div3A_150 = arith.constant 1.000000e+02 : f32
        %div3A_151 = arith.divf %reduce_sum3A_143, %div3A_150 : f32
        %sub3A_152 = vector.broadcast %div3A_151 : f32 to vector<1x1xf32>
        %sub3A_153 = arith.subf %mul3A_149, %sub3A_152 : vector<1x1xf32>
        %swap3A_154 = arith.constant 0 : index
        %swap3A_155 = arith.constant 0 : index
        %swap3A_156 = vector.load %arg6[%swap3A_154, %swap3A_155] : memref<1x1xf32, #tpu.memory_space<vmem>>, vector<1x1xf32>
        tpu.vector_store %arg6[%swap3A_154, %swap3A_155], %sub3A_153 {strides = array<i32>} : memref<1x1xf32, #tpu.memory_space<vmem>>, vector<1x1xf32>,
      } else {
      }
    } else {
    }
    return
  }
  func.func @transform_0(%arg0: i32) -> (i32, i32) {
    %lt3A = arith.constant 5 : i32
    %lt3A_0 = arith.cmpi slt, %arg0, %lt3A : i32
    %jit3A = arith.constant 4 : i32
    %select_n3A = arith.select %lt3A_0, %arg0, %jit3A : i32
    %c0_i32 = arith.constant 0 : i32
    %c0_i32_1 = arith.constant 0 : i32
    return %select_n3A, %c0_i32 : i32, i32
  }
  func.func @transform_1(%arg0: i32) -> (i32, i32) {
    %c0_i32 = arith.constant 0 : i32
    %c0_i32_0 = arith.constant 0 : i32
    %c0_i32_1 = arith.constant 0 : i32
    return %c0_i32, %c0_i32_0 : i32, i32
  }
  func.func @transform_2(%arg0: i32) -> (i32, i32) {
    %c0_i32 = arith.constant 0 : i32
    %c0_i32_0 = arith.constant 0 : i32
    %c0_i32_1 = arith.constant 0 : i32
    return %c0_i32, %c0_i32_0 : i32, i32
  }
  func.func @transform_3(%arg0: i32) -> (i32, i32) {
    %c0_i32 = arith.constant 0 : i32
    %c0_i32_0 = arith.constant 0 : i32
    %c0_i32_1 = arith.constant 0 : i32
    return %c0_i32, %c0_i32_0 : i32, i32
  }
  func.func @transform_4(%arg0: i32) -> (i32, i32) {
    %c0_i32 = arith.constant 0 : i32
    %c0_i32_0 = arith.constant 0 : i32
    %c0_i32_1 = arith.constant 0 : i32
    return %c0_i32, %c0_i32_0 : i32, i32
  }
  func.func @transform_5(%arg0: i32) -> (i32, i32) {
    %c0_i32 = arith.constant 0 : i32
    %c0_i32_0 = arith.constant 0 : i32
    %c0_i32_1 = arith.constant 0 : i32
    return %c0_i32, %c0_i32_0 : i32, i32
  }
}

</mosaic_0001>

<sc_bundles>
// kernel: kernel.4.cloned.1.call-start
scs
__scs_entry_jumppad:
0x0: {  	(pc) =	sbr.rel $0x88, $3  }
0x1: {  	(tag) =	ssettag $0x0;
	lr =	simm.s32 $0x1  }
0x2: {  	[smem:$0x3F9E] =	sst lr;
	_ =	strace $0xD0000000  }
0x3: {  	_ = 	snop  }
0x4: {  	_ = 	snop  }
0x5: {  	_ = 	snop  }
0x6: {  	_ = 	snop  }
0x7: {  	_ = 	snop  }
__scs_overlays_trampoline_lowered:
0x8: {  	[smem:$0x3FAD] =	sst s0  }
0x9: {  	[smem:$0x3FAE] =	sst s1  }
0xa: {  	[smem:$0x3FAF] =	sst s2  }
0xb: {  	[smem:$0x3FB0] =	sst s3  }
0xc: {  	[smem:$0x3FB1] =	sst s4  }
0xd: {  	[smem:$0x3FB2] =	sst s5  }
0xe: {  	[smem:$0x3FB3] =	sst s6  }
0xf: {  	[smem:$0x3FB4] =	sst s7  }
0x10: {  	[smem:$0x3FB5] =	sst s8  }
0x11: {  	[smem:$0x3FB6] =	sst s9;
	s0 =	simm.s32 @!p0 $0x0  }
0x12: {  	s1 =	sld [smem:$0x3F9C];
	s0 =	simm.s32 @p0 $0x1  }
0x13: {  	[smem:$0x3FB7] =	sst s0;
	s0 =	simm.s32 @!p1 $0x0  }
0x14: {  	s2 =	sld [smem:$0x3F9B];
	s0 =	simm.s32 @p1 $0x1  }
0x15: {  	[smem:$0x3FB8] =	sst s0;
	s0 =	simm.s32 @!p2 $0x0  }
0x16: {  	s3 =	sld [smem:$0x3FDB];
	s0 =	simm.s32 @p2 $0x1  }
0x17: {  	s4 =	simm.s32 $0x1BF5;
	[smem:$0x3FBA] =	sst s0  }
0x18: {  	s0 =	sld [smem:$0x3F9D];
	_ =	swait.ge [sflag:s4], $0x0  }
0x19: {  	s7 =	sld [smem:$0x3F9E]  }
0x1a: {  	s8 =	sadd.s32 $0xFFFFE003, lr  }
0x1b: {  	s9 =	sadd.s32 $0xFFFFFEF7, lr;
	s5 =	simm.s32 $0xFFFFFFFF;
	p2 =	slt.u32 s8, $0xFFFFF086  }
0x1c: {  	p1 =	slt.u32 s9, $0xF7A;
	s5 =	simm.s32 @!p2 $0x0  }
0x1d: {  	s5 =	simm.s32 @p1 $0x1;
	p0 =	seq.s32 s7, s2  }
0x1e: {  	s7 =	smul.u32 @!p0 $0xF7A, s2;
	p2 =	seq.s32 @!p0 s5, $0x0  }
0x1f: {  	s9 =	smul.u32 $0xF7A, s1;
	s8 =	simm.s32 @!p0 $0x1BF5;
	p2 =	por !p2, p0  }
0x20: {  	[sflag:s8] =	ssyncset.s32 @!p0 $0xFFFFF086;
	s6 =	sadd.s32 @!p0 s3, s7;
	s7 =	simm.s32 @!p0 $0x108  }
0x21: {  	s3 =	sadd.s32 s3, s9;
	s6 =	sadd.s32 @!p0 $0x88, s6;
	s7 =	simm.s32 @p2 $0x1082  }
0x22: {  	[simem:s7], [sflag:s8] =	dma.local @!p0 [hbm:s6], $0xF7A  }
0x23: {  	s9 =	sor.u32 $0xD0000000, s2;
	s6 =	simm.s32 $0x108;
	_ =	swait.ge @!p0 [sflag:s8], $0x0  }
0x24: {  	s3 =	sadd.s32 $0x88, s3;
	s6 =	simm.s32 @!p1 $0x1082;
	[sflag:s4] =	ssyncset.s32 $0xFFFFF086  }
0x25: {  	[simem:s6], [sflag:s4] =	dma.local [hbm:s3], $0xF7A  }
0x26: {  	[smem:$0x3F9E] =	sst s1;
	(tag) =	ssettag s2;
	_ =	strace s9  }
0x27: {  	s1 =	sld [smem:$0x3FAE]  }
0x28: {  	s2 =	sld [smem:$0x3FAF]  }
0x29: {  	s4 =	sld [smem:$0x3FB1]  }
0x2a: {  	p0 =	seq.s32 s5, $0x0;
	s5 =	sld [smem:$0x3FB2]  }
0x2b: {  	s6 =	sld [smem:$0x3FB3]  }
0x2c: {  	s7 =	sld [smem:$0x3FB4]  }
0x2d: {  	s3 =	simm.s32 $0x108;
	s8 =	sld [smem:$0x3FB5]  }
0x2e: {  	s3 =	simm.s32 @!p0 $0x1082;
	s9 =	sld [smem:$0x3FB6]  }
0x2f: {  	lr =	sadd.s32 s0, s3;
	s0 =	sld [smem:$0x3FAD]  }
0x30: {  	s3 =	sld [smem:$0x3FB0]  }
0x31: {  	[smem:$0x3FB9] =	sst s10  }
0x32: {  	s10 =	sld [smem:$0x3FB7];
	_ =	sdelay $0x3  }
0x33: {  	p0 =	seq.s32 s10, $0x1;
	s10 =	sld [smem:$0x3FB9];
	_ =	sdelay $0x3  }
0x34: {  	[smem:$0x3FB9] =	sst s10  }
0x35: {  	s10 =	sld [smem:$0x3FB8];
	_ =	sdelay $0x3  }
0x36: {  	p1 =	seq.s32 s10, $0x1;
	s10 =	sld [smem:$0x3FB9];
	_ =	sdelay $0x3  }
0x37: {  	[smem:$0x3FB9] =	sst s10  }
0x38: {  	s10 =	sld [smem:$0x3FBA]  }
0x39: {  	_ = 	snop;
	(pc) =	sbr.ind lr, $3  }
0x3a: {  	_ = 	snop  }
0x3b: {  	_ = 	snop  }
0x3c: {  	p2 =	seq.s32 s10, $0x1;
	s10 =	sld [smem:$0x3FB9]  }
0x3d: {  	_ =	shalt  }
0x3e: {  	_ =	shalt  }
0x3f: {  	_ =	shalt  }
0x40: {  	_ =	shalt  }
0x41: {  	_ =	shalt  }
0x42: {  	_ =	shalt  }
0x43: {  	_ =	shalt  }
0x44: {  	_ =	shalt  }
0x45: {  	_ =	shalt  }
0x46: {  	_ =	shalt  }
0x47: {  	_ =	shalt  }
0x48: {  	_ =	shalt  }
0x49: {  	_ =	shalt  }
0x4a: {  	_ =	shalt  }
0x4b: {  	_ =	shalt  }
0x4c: {  	_ =	shalt  }
0x4d: {  	_ =	shalt  }
0x4e: {  	_ =	shalt  }
0x4f: {  	_ =	shalt  }
0x50: {  	_ =	shalt  }
0x51: {  	_ =	shalt  }
0x52: {  	_ =	shalt  }
0x53: {  	_ =	shalt  }
0x54: {  	_ =	shalt  }
0x55: {  	_ =	shalt  }
0x56: {  	_ =	shalt  }
0x57: {  	_ =	shalt  }
0x58: {  	_ =	shalt  }
0x59: {  	_ =	shalt  }
0x5a: {  	_ =	shalt  }
0x5b: {  	_ =	shalt  }
0x5c: {  	_ =	shalt  }
0x5d: {  	_ =	shalt  }
0x5e: {  	_ =	shalt  }
0x5f: {  	_ =	shalt  }
0x60: {  	_ =	shalt  }
0x61: {  	_ =	shalt  }
0x62: {  	_ =	shalt  }
0x63: {  	_ =	shalt  }
0x64: {  	_ =	shalt  }
0x65: {  	_ =	shalt  }
0x66: {  	_ =	shalt  }
0x67: {  	_ =	shalt  }
0x68: {  	_ =	shalt  }
0x69: {  	_ =	shalt  }
0x6a: {  	_ =	shalt  }
0x6b: {  	_ =	shalt  }
0x6c: {  	_ =	shalt  }
0x6d: {  	_ =	shalt  }
0x6e: {  	_ =	shalt  }
0x6f: {  	_ =	shalt  }
0x70: {  	_ =	shalt  }
0x71: {  	_ =	shalt  }
0x72: {  	_ =	shalt  }
0x73: {  	_ =	shalt  }
0x74: {  	_ =	shalt  }
0x75: {  	_ =	shalt  }
0x76: {  	_ =	shalt  }
0x77: {  	_ =	shalt  }
0x78: {  	_ =	shalt  }
0x79: {  	_ =	shalt  }
0x7a: {  	_ =	shalt  }
0x7b: {  	_ =	shalt  }
0x7c: {  	_ =	shalt  }
0x7d: {  	_ =	shalt  }
0x7e: {  	_ =	shalt  }
0x7f: {  	_ =	shalt  }
0x80: {  	_ =	shalt  }
0x81: {  	_ =	shalt  }
0x82: {  	_ =	shalt  }
0x83: {  	_ =	shalt  }
0x84: {  	_ =	shalt  }
0x85: {  	_ =	shalt  }
0x86: {  	_ =	shalt  }
0x87: {  	_ =	shalt  }
.Lfunc_end0:
.L_simem_size_0:
called_computation_lowered:
.L_overlay_start_0:
0x88: {  	s2 =	sld [smem:$0x3FD9]  }
0x89: {  	s3 =	sld [smem:$0x3FFE];
	_ =	sdelay $0x1  }
0x8a: {  	s1 =	srdreg.scid  }
0x8b: {  	s0 =	sand.u32 $0x1, s1  }
0x8c: {  	s16 =	sshll.u32 s0, $0xA;
	s2 =	sadd.s32 s3, s2  }
0x8d: {  	s2 =	sadd.s32 s2, s16  }
0x8e: {  	[smem:$0x3FC5] =	sst s2  }
0x8f: {  	_ = 	snop  }
0x90: {  	(tm) =	ssettm $0x1  }
0x91: {  	s17 =	sld [smem:$0x3FFB];
	_ =	sdelay $0x3  }
0x92: {  	_ =	strace s17  }
0x93: {  	s2 =	sld [smem:$0x3FFC];
	_ =	sdelay $0x3  }
0x94: {  	_ =	strace s2  }
0x95: {  	s2 =	sld [smem:$0x3FFD];
	_ =	sdelay $0x3  }
0x96: {  	_ =	strace s2  }
0x97: {  	_ =	strace $0x8FFFFFFF  }
0x98: {  	s18 =	sld [smem:$0x3FDB];
	_ =	sdelay $0x1  }
0x99: {  	s19 =	simm.s32 $_scs_section_size  }
0x9a: {  	s4 =	simm.s32 $_size__tile_overlayer_lowered;
	s5 =	simm.s32 $_tile_overlayer_lowered  }
0x9b: {  	s22 =	simm.s32 $0x1BFF;
	s21 =	sshll.u32 s5, $0x1;
	s2 =	sadd.s32 s19, s18  }
0x9c: {  	s6 =	simm.s32 $0x0;
	s20 =	sshll.u32 s4, $0x1;
	s4 =	sadd.s32 s21, s2  }
0x9d: {  	[timem:s6], [sflag:s22] =	dma.local [hbm:s4], s20  }
0x9e: {  	_ =	swait.ge [sflag:s22], s20  }
0x9f: {  	s3 =	ssub.s32 $0x0, s20;
	[sflag:s22] =	ssyncset.done $0x0  }
0xa0: {  	[sflag:s22] =	ssyncadd.s32 s3;
	_ =	sdelay $0x1  }
0xa1: {  	s23 =	simm.s32 $0x1B8B  }
0xa2: {  	_ =	swait.ge [sflag:s23], $0x1  }
0xa3: {  	[sflag:s23] =	ssyncset.done $0x0  }
0xa4: {  	s25 =	simm.s32 $0x1B8E;
	s24 =	sld [smem:$0x3FFE];
	[sflag:s23] =	ssyncadd.s32 $0xFFFFFFFF  }
0xa5: {  	s26 =	simm.s32 $execute0_lowered;
	[smem:$0x3FD2] =	sst s25  }
0xa6: {  	s4 =	sshll.u32 s26, $0x1;
	_ =	strace $0x80000046;
	[dreg:$0x1] =	wrdreg $0xFFFFFFFF  }
0xa7: {  	s28 =	simm.s32 $_size_execute0_lowered;
	s2 =	sadd.s32 s2, s4;
	[dreg:$0x0] =	wrdreg $0x0  }
0xa8: {  	s4 =	sshll.u32 s28, $0x1;
	[dreg:$0x2] =	wrdreg s2  }
0xa9: {  	[dreg:$0x3] =	wrdreg s4  }
0xaa: {  	[dreg:$0x4] =	wrdreg $0xC0  }
0xab: {  	_ =	task [dreg:s6], $0x5FFFF  }
0xac: {  	[dreg:$0x1] =	wrdreg $0xFFFFFFFF  }
0xad: {  	[dreg:$0x0] =	wrdreg $0x60  }
0xae: {  	[dreg:$0x2] =	wrdreg s24  }
0xaf: {  	[dreg:$0x3] =	wrdreg $0x9  }
0xb0: {  	_ =	task.clear_ibuf [dreg:s6], $0x4FFFF;
	_ =	strace $0x90000046  }
0xb1: {  	s29 =	simm.s32 $0x9;
	_ =	strace $0x80000048  }
0xb2: {  	_ =	swait.ge [sflag:s29], $0x1  }
0xb3: {  	[sflag:s29] =	ssyncadd.s32 $0xFFFFFFFF  }
0xb4: {  	_ =	strace $0x90000048  }
0xb5: {  	_ =	sfence  }
0xb6: {  	s30 =	sld [smem:$0x0];
	_ =	sdelay $0x2  }
0xb7: {  	s31 =	sshll.u32 s1, $0xD;
	s1 =	sshrl.u32 s1, $0x2  }
0xb8: {  	s3 =	sand.u32 $0x4000, s31;
	s1 =	sadd.s32 s1, s30  }
0xb9: {  	s0 =	sor.u32 s3, s0;
	s1 =	sshll.u32 s1, $0x11  }
0xba: {  	s0 =	sor.u32 s1, s0  }
0xbb: {  	s0 =	sadd.s32 $0x8F2B, s0  }
0xbc: {  	[sflag:s0] =	ssyncadd.remote.s32 $0x1  }
0xbd: {  	_ =	sfence.sel $0xFFFF  }
0xbe: {  	[dreg:$0x0] =	wrdreg $0xFFFFFFFF;
	(pc) =	sbr.abs _section_cstart, $3  }
0xbf: {  	[dreg:$0x1] =	wrdreg $0xFFFFFFFF  }
0xc0: {  	_ =	task.clear_ibuf [dreg:s6], $0x2FFFF;
	_ =	strace $0x9FFFFFFF  }
0xc1: {  	(tm) =	ssettm $0x7FFFFFFF  }
tec
execute0_lowered:
.L_overlay_start_1:
0x0: {  	(tag) =	ssettag $0x1  }
0x1: {  	s1 =	srdreg.scid;
	s0 =	stileid.u32  }
0x2: {  	s3 =	sand.u32 $0x1, s1;
	s29 =	sshll.u32 s0, $0x1  }
0x3: {  	s5 =	rddreg [dreg:$0x0];
	s4 =	sor.u32 s3, s29  }
0x4: {  	s2 =	simm.s32 $0x0;
	s1 =	rddreg [dreg:$0x1];
	s6 =	smul.u32 $0x7, s4  }
0x5: {  	[smem:$0x7FF] =	sst s2;
	s8 =	ssub.s32 $0x2, s3  }
0x6: {  	_ =	strace $0x80000047;
	s30 =	sshrl.u32 s8, $0x1;
	s6 =	sadd.s32 s6, s5  }
0x7: {  	s7 =	smul.u32 $0x700, s4;
	s4 =	sadd.s32 $0x400, s6;
	s6 =	ssub.s32 s8, s30  }
0x8: {  	[tilespmem:s2], [sflag:$0x1] =	stream.linear.gather [hbm4b:s4+s2], $0x38, $0x38;
	[tilespmem:$0x3880] =	vst v63  }
0x9: {  	s3 =	simm.s32 $0x1;
	s31 =	smax.u32 s6, $0x1  }
0xa: {  	_ =	swait.ge [sflag:s3], $0x38;
	p0 =	sne.s32 s31, $0x1  }
.Ltmp0:
0xb: {  	s5 =	sadd.s32 s7, s5;
	[sflag:s3] =	ssyncset.done $0x0;
	(pc) =	sbr.rel @!p0 .LBB2_2-.Ltmp0, $4  }
0xc: {  	s5 =	sadd.s32 $0x600, s5;
	s6 =	simm.s32 $0x80;
	[sflag:s3] =	ssyncadd.s32 $0xFFFFFFC8  }
0xd: {  	[hbm4b:s5+s2] =	stream.linear.scatter [tilespmem:s6], [sflag:$0x1], $0x800, $0x38;
	[tilespmem:$0x3880] =	vst v63  }
0xe: {  	_ =	swait.ge [sflag:s3], $0x800  }
0xf: {  	s7 =	sadd.s32 $0xFFFFFFFF, s31;
	[sflag:s3] =	ssyncset.done $0x0  }
.LBB2_1:
0x10: {  	p0 =	sne.s32 s7, $0x1;
	s7 =	sadd.s32 $0xFFFFFFFF, s7;
	[sflag:s3] =	ssyncadd.s32 $0xFFFFF800  }
0x11: {  	[tilespmem:s2], [sflag:$0x1] =	stream.linear.gather [hbm4b:s4+s2], $0x38, $0x38;
	[tilespmem:$0x3880] =	vst v63  }
0x12: {  	_ =	swait.ge [sflag:s3], $0x38  }
.Ltmp1:
0x13: {  	[sflag:s3] =	ssyncset.done $0x0;
	(pc) =	sbr.rel @p0 .LBB2_1-.Ltmp1, $4  }
0x14: {  	[sflag:s3] =	ssyncadd.s32 $0xFFFFFFC8  }
0x15: {  	[hbm4b:s5+s2] =	stream.linear.scatter [tilespmem:s6], [sflag:$0x1], $0x800, $0x38;
	[tilespmem:$0x3880] =	vst v63  }
0x16: {  	_ =	swait.ge [sflag:s3], $0x800  }
0x17: {  	[sflag:s3] =	ssyncset.done $0x0  }
.LBB2_2:
0x18: {  	[sflag:s3] =	ssyncadd.s32 $0xFFFFF800  }
0x19: {  	_ =	sfence.sel $0x180000  }
0x1a: {  	[bflag:$0x0] =	sbarrier.arrive $0xFFFF  }
0x1b: {  	p0 =	sne.s32 s0, $0x0;
	_ =	strace $0x90000047  }
0x1c: {  	s0 =	sadd.s32 @!p0 $0x100000, s1;
	[bflag:$0x2] =	sbarrier.arrive $0xFFFF  }
0x1d: {  	[sflag:s0] =	ssyncadd.tile.s32 @!p0 $0x1;
	_ =	shalt  }
.Lfunc_end2:
_tile_overlayer_lowered:
.L_overlay_start_2:
0x1e: {  	(tag) =	ssettag $0x2  }
0x1f: {  	s0 =	rddreg [dreg:$0x0];
	s2 =	stileid.u32  }
0x20: {  	s1 =	rddreg [dreg:$0x1];
	p0 =	sne.s32 s2, $0x0  }
0x21: {  	s3 =	rddreg [dreg:$0x2];
	[bflag:$0x3] =	sbarrier.arrive $0xFFFF;
	s2 =	simm.s32 @!p0 $0x1C01  }
0x22: {  	[timem:s3], [sflag:s2] =	dma.local @!p0 [hbm:s0], s1  }
0x23: {  	s0 =	simm.s32 @!p0 $0x1  }
0x24: {  	_ =	swait.ge @!p0 [sflag:s0], s1  }
0x25: {  	s1 =	ssub.s32 @!p0 $0x0, s1;
	[sflag:s0] =	ssyncset.done @!p0 $0x0  }
0x26: {  	[sflag:s0] =	ssyncadd.s32 @!p0 s1  }
0x27: {  	[bflag:$0x3] =	sbarrier.arrive $0xFFFF  }
0x28: {  	_ =	shalt  }

</sc_bundles>
